<compile_context>
chip_gen: v7x
topology: tpu7x:2x2x1
jax: 0.10.2.dev20260603
libtpu: 0.0.44.dev20260713+nightly
codegen_flags: <defaults>
</compile_context>

<pallas_src>
import jax
import jax.numpy as jnp
from jax import lax
from jax.experimental import pallas as pl
from jax.experimental.pallas import tpu as pltpu
from jax.experimental.pallas import tpu_sc as plsc

NUM_POSITIONS = 8192
EMBED_DIM = 1024
B_TOTAL = 4 * 8192

_info = plsc.get_sparse_core_info()
_NC, _NS = _info.num_cores, _info.num_subcores
_NW = _NC * _NS
_B_PER_W = B_TOTAL // _NW
_CHUNK = 16
_GRP = 2
_NPAIR = 3
_N_PAIRS = _B_PER_W // (_CHUNK * _GRP)


def _gather_kernel(x_hbm, w_hbm, out_hbm, idx_v, bufs_v, gsems, wsems):
    wid = lax.axis_index("s") * _NC + lax.axis_index("c")
    base = wid * _B_PER_W
    pltpu.sync_copy(x_hbm.at[pl.ds(base, _B_PER_W)], idx_v)

    def g_start(p, h):
        i = p * _GRP + h
        pltpu.async_copy(w_hbm.at[idx_v.at[pl.ds(i * _CHUNK, _CHUNK)]],
                         bufs_v.at[p % _NPAIR].at[pl.ds(h * _CHUNK, _CHUNK)],
                         gsems.at[(p % _NPAIR) * _GRP + h])

    def g_wait(p, h):
        pltpu.make_async_copy(w_hbm.at[pl.ds(0, _CHUNK)],
                              bufs_v.at[p % _NPAIR].at[pl.ds(h * _CHUNK, _CHUNK)],
                              gsems.at[(p % _NPAIR) * _GRP + h]).wait()

    def w_start(p):
        pltpu.async_copy(bufs_v.at[p % _NPAIR],
                         out_hbm.at[pl.ds(base + p * _GRP * _CHUNK,
                                          _GRP * _CHUNK)],
                         wsems.at[p % _NPAIR])

    def w_wait(p):
        pltpu.make_async_copy(bufs_v.at[p % _NPAIR],
                              out_hbm.at[pl.ds(base, _GRP * _CHUNK)],
                              wsems.at[p % _NPAIR]).wait()

    def g_start_pair(p):
        for h in range(_GRP):
            g_start(p, h)

    g_start_pair(0)
    g_start_pair(1)
    g_wait(0, 0)
    g_wait(0, 1)
    w_start(0)
    g_start_pair(2)
    g_wait(1, 0)
    g_wait(1, 1)
    w_start(1)
    w_wait(0)
    g_start_pair(3)

    def body(j, _):
        for s in range(3):
            p = 2 + 3 * j + s
            g_wait(p, 0)
            g_wait(p, 1)
            w_start(p)
            w_wait(p + 2)
            g_start_pair(p + 2)
        return ()

    lax.fori_loop(0, 9, body, (), unroll=False)

    g_wait(29, 0)
    g_wait(29, 1)
    w_start(29)
    w_wait(28)
    g_start_pair(31)
    g_wait(30, 0)
    g_wait(30, 1)
    w_start(30)
    w_wait(29)
    g_wait(31, 0)
    g_wait(31, 1)
    w_start(31)
    w_wait(30)
    w_wait(31)


@jax.jit
def kernel(x, weight):
    x_flat = x.reshape(B_TOTAL).astype(jnp.int32)
    mesh = plsc.VectorSubcoreMesh(core_axis_name="c", subcore_axis_name="s")
    out = pl.kernel(
        _gather_kernel,
        mesh=mesh,
        out_type=jax.ShapeDtypeStruct((B_TOTAL, EMBED_DIM), jnp.float32),
        scratch_types=[
            pltpu.VMEM((_B_PER_W,), jnp.int32),
            pltpu.VMEM((_NPAIR, _GRP * _CHUNK, EMBED_DIM), jnp.float32),
            pltpu.SemaphoreType.DMA((_NPAIR * _GRP,)),
            pltpu.SemaphoreType.DMA((_NPAIR,)),
        ],
    )(x_flat, weight)
    return out.reshape(x.shape[0], x.shape[1], EMBED_DIM)

# --- scband reference (transcript-rebuilt; emitter-appended) ---
"""Pipeline reference for scband-position-embedding-57131654972073 (READ-ONLY COPY).

The authoritative reference and input builder live on the scoring server;
editing this copy changes nothing except your own understanding.
"""

import jax, jax.numpy as jnp
import numpy as np

NUM_POSITIONS = 8192
EMBED_DIM = 1024

def setup_inputs(seed: int = 0) -> dict:
    key = jax.random.key(seed)
    k1, k2 = jax.random.split(key)
    x = jax.random.randint(k1, (4, 8192), 0, NUM_POSITIONS, dtype=jnp.int64 if jax.config.jax_enable_x64 else jnp.int32)
    weight = jax.random.normal(k2, (NUM_POSITIONS, EMBED_DIM), dtype=jnp.float32)
    return {"x": x, "weight": weight}

def reference(x, weight):
    # F.embedding(x, weight) -> gather rows of weight by index tensor x
    return jnp.take(weight, x, axis=0)

if __name__ == "__main__":
    import jax
    _d = setup_inputs()
    print(jax.jit(kernel)(*tuple(_d.values())))

</pallas_src>

<mosaic_0001>
#map = affine_map<(d0, d1) -> (0)>
#map1 = affine_map<(d0, d1) -> (0, 0)>
module attributes {stable_mosaic.version = 14 : i64} {
  func.func @_gather_kernel(%arg0: i32, %arg1: i32, %arg2: memref<32768xi32, #tpu.memory_space<hbm>>, %arg3: memref<8192x1024xf32, #tpu.memory_space<hbm>>, %arg4: memref<32768x1024xf32, #tpu.memory_space<hbm>>, %arg5: memref<1024xi32, #tpu.memory_space<vmem>>, %arg6: memref<3x32x1024xf32, #tpu.memory_space<vmem>>, %arg7: memref<6x!tpu.dma_semaphore, #tpu.memory_space<semaphore_mem>>, %arg8: memref<3x!tpu.dma_semaphore, #tpu.memory_space<semaphore_mem>>) attributes {dimension_semantics = [#tpu.dimension_semantics<core_parallel>, #tpu.dimension_semantics<subcore_parallel>], iteration_bounds = array<i64: 2, 16>, scalar_prefetch = 0 : i64, scratch_operands = 4 : i64, tpu.core_type = #tpu.core_type<sc_vector_subcore>, window_params = [{transform_indices = #map}, {transform_indices = #map1}, {transform_indices = #map1}]} {
    %mul3A = arith.constant 2 : i32
    %mul3A_0 = arith.muli %arg1, %mul3A : i32
    %add3A = arith.addi %mul3A_0, %arg0 : i32
    %mul3A_1 = arith.constant 1024 : i32
    %mul3A_2 = arith.muli %add3A, %mul3A_1 : i32
    "tpu.region"() ({
      %run_scoped3A = tpu.sem_alloc : memref<!tpu.dma_semaphore, #tpu.memory_space<semaphore_mem>>
      %dma_start3A_575 = tpu.memref_slice %arg2[%mul3A_2] : memref<32768xi32, #tpu.memory_space<hbm>> -> memref<1024xi32, #tpu.memory_space<hbm>>
      %dma_start3A_576 = tpu.memref_slice %arg2[%mul3A_2] : memref<32768xi32, #tpu.memory_space<hbm>> -> memref<1024xi32, #tpu.memory_space<hbm>>
      tpu.enqueue_dma source(%dma_start3A_576 : memref<1024xi32, #tpu.memory_space<hbm>>) target(%arg5 : memref<1024xi32, #tpu.memory_space<vmem>>) target_semaphore(%run_scoped3A : memref<!tpu.dma_semaphore, #tpu.memory_space<semaphore_mem>>)
      %dma_wait3A_577 = tpu.memref_slice %arg2[%mul3A_2] : memref<32768xi32, #tpu.memory_space<hbm>> -> memref<1024xi32, #tpu.memory_space<hbm>>
      %dma_wait3A_578 = tpu.memref_slice %arg2[%mul3A_2] : memref<32768xi32, #tpu.memory_space<hbm>> -> memref<1024xi32, #tpu.memory_space<hbm>>
      tpu.wait_dma2 semaphore(%run_scoped3A : memref<!tpu.dma_semaphore, #tpu.memory_space<semaphore_mem>>) src(%dma_wait3A_578 : memref<1024xi32, #tpu.memory_space<hbm>>) dst(%arg5 : memref<1024xi32, #tpu.memory_space<vmem>>)
      tpu.yield
    }) : () -> ()
    %dma_start3A = arith.constant 0 : i32
    %dma_start3A_3 = arith.constant 0 : i32
    %dma_start3A_4 = arith.constant 0 : i32
    %dma_start3A_5 = arith.constant 0 : i32
    %dma_start3A_6 = tpu.memref_slice %arg6[%dma_start3A, %dma_start3A_4, %dma_start3A_5] : memref<3x32x1024xf32, #tpu.memory_space<vmem>> -> memref<1x32x1024xf32, #tpu.memory_space<vmem>>
    %dma_start3A_7 = tpu.memref_squeeze %dma_start3A_6 : memref<1x32x1024xf32, #tpu.memory_space<vmem>> -> memref<32x1024xf32, #tpu.memory_space<vmem>>
    %dma_start3A_8 = arith.constant 0 : i32
    %dma_start3A_9 = arith.constant 0 : i32
    %dma_start3A_10 = tpu.memref_slice %dma_start3A_7[%dma_start3A_8, %dma_start3A_9] : memref<32x1024xf32, #tpu.memory_space<vmem>> -> memref<16x1024xf32, #tpu.memory_space<vmem>>
    %dma_start3A_11 = arith.constant 0 : i32
    %dma_start3A_12 = tpu.memref_slice %arg5[%dma_start3A_11] : memref<1024xi32, #tpu.memory_space<vmem>> -> memref<16xi32, #tpu.memory_space<vmem>>
    %dma_start3A_13 = arith.constant 0 : i32
    %dma_start3A_14 = arith.constant 0 : i32
    %dma_start3A_15 = tpu.memref_slice %arg3[%dma_start3A_13, %dma_start3A_14] : memref<8192x1024xf32, #tpu.memory_space<hbm>> -> memref<8192x1024xf32, #tpu.memory_space<hbm>>
    %dma_start3A_16 = tpu.memref_slice %arg7[%dma_start3A_3] : memref<6x!tpu.dma_semaphore, #tpu.memory_space<semaphore_mem>> -> memref<1x!tpu.dma_semaphore, #tpu.memory_space<semaphore_mem>>
    %dma_start3A_17 = tpu.memref_squeeze %dma_start3A_16 : memref<1x!tpu.dma_semaphore, #tpu.memory_space<semaphore_mem>> -> memref<!tpu.dma_semaphore, #tpu.memory_space<semaphore_mem>>
    tpu.enqueue_indirect_dma source(%dma_start3A_15 : memref<8192x1024xf32, #tpu.memory_space<hbm>>) target(%dma_start3A_10 : memref<16x1024xf32, #tpu.memory_space<vmem>>) offsets(%dma_start3A_12 : memref<16xi32, #tpu.memory_space<vmem>>) semaphore(%dma_start3A_17 : memref<!tpu.dma_semaphore, #tpu.memory_space<semaphore_mem>>)
    %dma_start3A_18 = arith.constant 0 : i32
    %dma_start3A_19 = arith.constant 1 : i32
    %dma_start3A_20 = arith.constant 0 : i32
    %dma_start3A_21 = arith.constant 0 : i32
    %dma_start3A_22 = tpu.memref_slice %arg6[%dma_start3A_18, %dma_start3A_20, %dma_start3A_21] : memref<3x32x1024xf32, #tpu.memory_space<vmem>> -> memref<1x32x1024xf32, #tpu.memory_space<vmem>>
    %dma_start3A_23 = tpu.memref_squeeze %dma_start3A_22 : memref<1x32x1024xf32, #tpu.memory_space<vmem>> -> memref<32x1024xf32, #tpu.memory_space<vmem>>
    %dma_start3A_24 = arith.constant 16 : i32
    %dma_start3A_25 = arith.constant 0 : i32
    %dma_start3A_26 = tpu.memref_slice %dma_start3A_23[%dma_start3A_24, %dma_start3A_25] : memref<32x1024xf32, #tpu.memory_space<vmem>> -> memref<16x1024xf32, #tpu.memory_space<vmem>>
    %dma_start3A_27 = arith.constant 16 : i32
    %dma_start3A_28 = tpu.memref_slice %arg5[%dma_start3A_27] : memref<1024xi32, #tpu.memory_space<vmem>> -> memref<16xi32, #tpu.memory_space<vmem>>
    %dma_start3A_29 = arith.constant 0 : i32
    %dma_start3A_30 = arith.constant 0 : i32
    %dma_start3A_31 = tpu.memref_slice %arg3[%dma_start3A_29, %dma_start3A_30] : memref<8192x1024xf32, #tpu.memory_space<hbm>> -> memref<8192x1024xf32, #tpu.memory_space<hbm>>
    %dma_start3A_32 = tpu.memref_slice %arg7[%dma_start3A_19] : memref<6x!tpu.dma_semaphore, #tpu.memory_space<semaphore_mem>> -> memref<1x!tpu.dma_semaphore, #tpu.memory_space<semaphore_mem>>
    %dma_start3A_33 = tpu.memref_squeeze %dma_start3A_32 : memref<1x!tpu.dma_semaphore, #tpu.memory_space<semaphore_mem>> -> memref<!tpu.dma_semaphore, #tpu.memory_space<semaphore_mem>>
    tpu.enqueue_indirect_dma source(%dma_start3A_31 : memref<8192x1024xf32, #tpu.memory_space<hbm>>) target(%dma_start3A_26 : memref<16x1024xf32, #tpu.memory_space<vmem>>) offsets(%dma_start3A_28 : memref<16xi32, #tpu.memory_space<vmem>>) semaphore(%dma_start3A_33 : memref<!tpu.dma_semaphore, #tpu.memory_space<semaphore_mem>>)
    %dma_start3A_34 = arith.constant 1 : i32
    %dma_start3A_35 = arith.constant 2 : i32
    %dma_start3A_36 = arith.constant 0 : i32
    %dma_start3A_37 = arith.constant 0 : i32
    %dma_start3A_38 = tpu.memref_slice %arg6[%dma_start3A_34, %dma_start3A_36, %dma_start3A_37] : memref<3x32x1024xf32, #tpu.memory_space<vmem>> -> memref<1x32x1024xf32, #tpu.memory_space<vmem>>
    %dma_start3A_39 = tpu.memref_squeeze %dma_start3A_38 : memref<1x32x1024xf32, #tpu.memory_space<vmem>> -> memref<32x1024xf32, #tpu.memory_space<vmem>>
    %dma_start3A_40 = arith.constant 0 : i32
    %dma_start3A_41 = arith.constant 0 : i32
    %dma_start3A_42 = tpu.memref_slice %dma_start3A_39[%dma_start3A_40, %dma_start3A_41] : memref<32x1024xf32, #tpu.memory_space<vmem>> -> memref<16x1024xf32, #tpu.memory_space<vmem>>
    %dma_start3A_43 = arith.constant 32 : i32
    %dma_start3A_44 = tpu.memref_slice %arg5[%dma_start3A_43] : memref<1024xi32, #tpu.memory_space<vmem>> -> memref<16xi32, #tpu.memory_space<vmem>>
    %dma_start3A_45 = arith.constant 0 : i32
    %dma_start3A_46 = arith.constant 0 : i32
    %dma_start3A_47 = tpu.memref_slice %arg3[%dma_start3A_45, %dma_start3A_46] : memref<8192x1024xf32, #tpu.memory_space<hbm>> -> memref<8192x1024xf32, #tpu.memory_space<hbm>>
    %dma_start3A_48 = tpu.memref_slice %arg7[%dma_start3A_35] : memref<6x!tpu.dma_semaphore, #tpu.memory_space<semaphore_mem>> -> memref<1x!tpu.dma_semaphore, #tpu.memory_space<semaphore_mem>>
    %dma_start3A_49 = tpu.memref_squeeze %dma_start3A_48 : memref<1x!tpu.dma_semaphore, #tpu.memory_space<semaphore_mem>> -> memref<!tpu.dma_semaphore, #tpu.memory_space<semaphore_mem>>
    tpu.enqueue_indirect_dma source(%dma_start3A_47 : memref<8192x1024xf32, #tpu.memory_space<hbm>>) target(%dma_start3A_42 : memref<16x1024xf32, #tpu.memory_space<vmem>>) offsets(%dma_start3A_44 : memref<16xi32, #tpu.memory_space<vmem>>) semaphore(%dma_start3A_49 : memref<!tpu.dma_semaphore, #tpu.memory_space<semaphore_mem>>)
    %dma_start3A_50 = arith.constant 1 : i32
    %dma_start3A_51 = arith.constant 3 : i32
    %dma_start3A_52 = arith.constant 0 : i32
    %dma_start3A_53 = arith.constant 0 : i32
    %dma_start3A_54 = tpu.memref_slice %arg6[%dma_start3A_50, %dma_start3A_52, %dma_start3A_53] : memref<3x32x1024xf32, #tpu.memory_space<vmem>> -> memref<1x32x1024xf32, #tpu.memory_space<vmem>>
    %dma_start3A_55 = tpu.memref_squeeze %dma_start3A_54 : memref<1x32x1024xf32, #tpu.memory_space<vmem>> -> memref<32x1024xf32, #tpu.memory_space<vmem>>
    %dma_start3A_56 = arith.constant 16 : i32
    %dma_start3A_57 = arith.constant 0 : i32
    %dma_start3A_58 = tpu.memref_slice %dma_start3A_55[%dma_start3A_56, %dma_start3A_57] : memref<32x1024xf32, #tpu.memory_space<vmem>> -> memref<16x1024xf32, #tpu.memory_space<vmem>>
    %dma_start3A_59 = arith.constant 48 : i32
    %dma_start3A_60 = tpu.memref_slice %arg5[%dma_start3A_59] : memref<1024xi32, #tpu.memory_space<vmem>> -> memref<16xi32, #tpu.memory_space<vmem>>
    %dma_start3A_61 = arith.constant 0 : i32
    %dma_start3A_62 = arith.constant 0 : i32
    %dma_start3A_63 = tpu.memref_slice %arg3[%dma_start3A_61, %dma_start3A_62] : memref<8192x1024xf32, #tpu.memory_space<hbm>> -> memref<8192x1024xf32, #tpu.memory_space<hbm>>
    %dma_start3A_64 = tpu.memref_slice %arg7[%dma_start3A_51] : memref<6x!tpu.dma_semaphore, #tpu.memory_space<semaphore_mem>> -> memref<1x!tpu.dma_semaphore, #tpu.memory_space<semaphore_mem>>
    %dma_start3A_65 = tpu.memref_squeeze %dma_start3A_64 : memref<1x!tpu.dma_semaphore, #tpu.memory_space<semaphore_mem>> -> memref<!tpu.dma_semaphore, #tpu.memory_space<semaphore_mem>>
    tpu.enqueue_indirect_dma source(%dma_start3A_63 : memref<8192x1024xf32, #tpu.memory_space<hbm>>) target(%dma_start3A_58 : memref<16x1024xf32, #tpu.memory_space<vmem>>) offsets(%dma_start3A_60 : memref<16xi32, #tpu.memory_space<vmem>>) semaphore(%dma_start3A_65 : memref<!tpu.dma_semaphore, #tpu.memory_space<semaphore_mem>>)
    %dma_wait3A = arith.constant 0 : i32
    %dma_wait3A_66 = arith.constant 0 : i32
    %dma_wait3A_67 = arith.constant 0 : i32
    %dma_wait3A_68 = arith.constant 0 : i32
    %dma_wait3A_69 = tpu.memref_slice %arg6[%dma_wait3A, %dma_wait3A_67, %dma_wait3A_68] : memref<3x32x1024xf32, #tpu.memory_space<vmem>> -> memref<1x32x1024xf32, #tpu.memory_space<vmem>>
    %dma_wait3A_70 = tpu.memref_squeeze %dma_wait3A_69 : memref<1x32x1024xf32, #tpu.memory_space<vmem>> -> memref<32x1024xf32, #tpu.memory_space<vmem>>
    %dma_wait3A_71 = arith.constant 0 : i32
    %dma_wait3A_72 = arith.constant 0 : i32
    %dma_wait3A_73 = tpu.memref_slice %dma_wait3A_70[%dma_wait3A_71, %dma_wait3A_72] : memref<32x1024xf32, #tpu.memory_space<vmem>> -> memref<16x1024xf32, #tpu.memory_space<vmem>>
    %dma_wait3A_74 = arith.constant 0 : i32
    %dma_wait3A_75 = arith.constant 0 : i32
    %dma_wait3A_76 = tpu.memref_slice %arg3[%dma_wait3A_74, %dma_wait3A_75] : memref<8192x1024xf32, #tpu.memory_space<hbm>> -> memref<16x1024xf32, #tpu.memory_space<hbm>>
    %dma_wait3A_77 = tpu.memref_slice %arg7[%dma_wait3A_66] : memref<6x!tpu.dma_semaphore, #tpu.memory_space<semaphore_mem>> -> memref<1x!tpu.dma_semaphore, #tpu.memory_space<semaphore_mem>>
    %dma_wait3A_78 = tpu.memref_squeeze %dma_wait3A_77 : memref<1x!tpu.dma_semaphore, #tpu.memory_space<semaphore_mem>> -> memref<!tpu.dma_semaphore, #tpu.memory_space<semaphore_mem>>
    %dma_wait3A_79 = arith.constant 0 : i32
    %dma_wait3A_80 = arith.constant 0 : i32
    %dma_wait3A_81 = tpu.memref_slice %arg6[%dma_wait3A, %dma_wait3A_79, %dma_wait3A_80] : memref<3x32x1024xf32, #tpu.memory_space<vmem>> -> memref<1x32x1024xf32, #tpu.memory_space<vmem>>
    %dma_wait3A_82 = tpu.memref_squeeze %dma_wait3A_81 : memref<1x32x1024xf32, #tpu.memory_space<vmem>> -> memref<32x1024xf32, #tpu.memory_space<vmem>>
    %dma_wait3A_83 = arith.constant 0 : i32
    %dma_wait3A_84 = arith.constant 0 : i32
    %dma_wait3A_85 = tpu.memref_slice %dma_wait3A_82[%dma_wait3A_83, %dma_wait3A_84] : memref<32x1024xf32, #tpu.memory_space<vmem>> -> memref<16x1024xf32, #tpu.memory_space<vmem>>
    %dma_wait3A_86 = arith.constant 0 : i32
    %dma_wait3A_87 = arith.constant 0 : i32
    %dma_wait3A_88 = tpu.memref_slice %arg3[%dma_wait3A_86, %dma_wait3A_87] : memref<8192x1024xf32, #tpu.memory_space<hbm>> -> memref<16x1024xf32, #tpu.memory_space<hbm>>
    tpu.wait_dma2 semaphore(%dma_wait3A_78 : memref<!tpu.dma_semaphore, #tpu.memory_space<semaphore_mem>>) src(%dma_wait3A_88 : memref<16x1024xf32, #tpu.memory_space<hbm>>) dst(%dma_wait3A_85 : memref<16x1024xf32, #tpu.memory_space<vmem>>)
    %dma_wait3A_89 = arith.constant 0 : i32
    %dma_wait3A_90 = arith.constant 1 : i32
    %dma_wait3A_91 = arith.constant 0 : i32
    %dma_wait3A_92 = arith.constant 0 : i32
    %dma_wait3A_93 = tpu.memref_slice %arg6[%dma_wait3A_89, %dma_wait3A_91, %dma_wait3A_92] : memref<3x32x1024xf32, #tpu.memory_space<vmem>> -> memref<1x32x1024xf32, #tpu.memory_space<vmem>>
    %dma_wait3A_94 = tpu.memref_squeeze %dma_wait3A_93 : memref<1x32x1024xf32, #tpu.memory_space<vmem>> -> memref<32x1024xf32, #tpu.memory_space<vmem>>
    %dma_wait3A_95 = arith.constant 16 : i32
    %dma_wait3A_96 = arith.constant 0 : i32
    %dma_wait3A_97 = tpu.memref_slice %dma_wait3A_94[%dma_wait3A_95, %dma_wait3A_96] : memref<32x1024xf32, #tpu.memory_space<vmem>> -> memref<16x1024xf32, #tpu.memory_space<vmem>>
    %dma_wait3A_98 = arith.constant 0 : i32
    %dma_wait3A_99 = arith.constant 0 : i32
    %dma_wait3A_100 = tpu.memref_slice %arg3[%dma_wait3A_98, %dma_wait3A_99] : memref<8192x1024xf32, #tpu.memory_space<hbm>> -> memref<16x1024xf32, #tpu.memory_space<hbm>>
    %dma_wait3A_101 = tpu.memref_slice %arg7[%dma_wait3A_90] : memref<6x!tpu.dma_semaphore, #tpu.memory_space<semaphore_mem>> -> memref<1x!tpu.dma_semaphore, #tpu.memory_space<semaphore_mem>>
    %dma_wait3A_102 = tpu.memref_squeeze %dma_wait3A_101 : memref<1x!tpu.dma_semaphore, #tpu.memory_space<semaphore_mem>> -> memref<!tpu.dma_semaphore, #tpu.memory_space<semaphore_mem>>
    %dma_wait3A_103 = arith.constant 0 : i32
    %dma_wait3A_104 = arith.constant 0 : i32
    %dma_wait3A_105 = tpu.memref_slice %arg6[%dma_wait3A_89, %dma_wait3A_103, %dma_wait3A_104] : memref<3x32x1024xf32, #tpu.memory_space<vmem>> -> memref<1x32x1024xf32, #tpu.memory_space<vmem>>
    %dma_wait3A_106 = tpu.memref_squeeze %dma_wait3A_105 : memref<1x32x1024xf32, #tpu.memory_space<vmem>> -> memref<32x1024xf32, #tpu.memory_space<vmem>>
    %dma_wait3A_107 = arith.constant 16 : i32
    %dma_wait3A_108 = arith.constant 0 : i32
    %dma_wait3A_109 = tpu.memref_slice %dma_wait3A_106[%dma_wait3A_107, %dma_wait3A_108] : memref<32x1024xf32, #tpu.memory_space<vmem>> -> memref<16x1024xf32, #tpu.memory_space<vmem>>
    %dma_wait3A_110 = arith.constant 0 : i32
    %dma_wait3A_111 = arith.constant 0 : i32
    %dma_wait3A_112 = tpu.memref_slice %arg3[%dma_wait3A_110, %dma_wait3A_111] : memref<8192x1024xf32, #tpu.memory_space<hbm>> -> memref<16x1024xf32, #tpu.memory_space<hbm>>
    tpu.wait_dma2 semaphore(%dma_wait3A_102 : memref<!tpu.dma_semaphore, #tpu.memory_space<semaphore_mem>>) src(%dma_wait3A_112 : memref<16x1024xf32, #tpu.memory_space<hbm>>) dst(%dma_wait3A_109 : memref<16x1024xf32, #tpu.memory_space<vmem>>)
    %add3A_113 = arith.constant 0 : i32
    %add3A_114 = arith.addi %mul3A_2, %add3A_113 : i32
    %dma_start3A_115 = arith.constant 0 : i32
    %dma_start3A_116 = arith.constant 0 : i32
    %dma_start3A_117 = arith.constant 0 : i32
    %dma_start3A_118 = arith.constant 0 : i32
    %dma_start3A_119 = tpu.memref_slice %arg6[%dma_start3A_115, %dma_start3A_117, %dma_start3A_118] : memref<3x32x1024xf32, #tpu.memory_space<vmem>> -> memref<1x32x1024xf32, #tpu.memory_space<vmem>>
    %dma_start3A_120 = tpu.memref_squeeze %dma_start3A_119 : memref<1x32x1024xf32, #tpu.memory_space<vmem>> -> memref<32x1024xf32, #tpu.memory_space<vmem>>
    %dma_start3A_121 = arith.constant 0 : i32
    %dma_start3A_122 = tpu.memref_slice %arg4[%add3A_114, %dma_start3A_121] : memref<32768x1024xf32, #tpu.memory_space<hbm>> -> memref<32x1024xf32, #tpu.memory_space<hbm>>
    %dma_start3A_123 = tpu.memref_slice %arg8[%dma_start3A_116] : memref<3x!tpu.dma_semaphore, #tpu.memory_space<semaphore_mem>> -> memref<1x!tpu.dma_semaphore, #tpu.memory_space<semaphore_mem>>
    %dma_start3A_124 = tpu.memref_squeeze %dma_start3A_123 : memref<1x!tpu.dma_semaphore, #tpu.memory_space<semaphore_mem>> -> memref<!tpu.dma_semaphore, #tpu.memory_space<semaphore_mem>>
    %dma_start3A_125 = arith.constant 0 : i32
    %dma_start3A_126 = tpu.memref_slice %arg4[%add3A_114, %dma_start3A_125] : memref<32768x1024xf32, #tpu.memory_space<hbm>> -> memref<32x1024xf32, #tpu.memory_space<hbm>>
    %dma_start3A_127 = arith.constant 0 : i32
    %dma_start3A_128 = arith.constant 0 : i32
    %dma_start3A_129 = tpu.memref_slice %arg6[%dma_start3A_115, %dma_start3A_127, %dma_start3A_128] : memref<3x32x1024xf32, #tpu.memory_space<vmem>> -> memref<1x32x1024xf32, #tpu.memory_space<vmem>>
    %dma_start3A_130 = tpu.memref_squeeze %dma_start3A_129 : memref<1x32x1024xf32, #tpu.memory_space<vmem>> -> memref<32x1024xf32, #tpu.memory_space<vmem>>
    tpu.enqueue_dma source(%dma_start3A_130 : memref<32x1024xf32, #tpu.memory_space<vmem>>) target(%dma_start3A_126 : memref<32x1024xf32, #tpu.memory_space<hbm>>) target_semaphore(%dma_start3A_124 : memref<!tpu.dma_semaphore, #tpu.memory_space<semaphore_mem>>)
    %dma_start3A_131 = arith.constant 2 : i32
    %dma_start3A_132 = arith.constant 4 : i32
    %dma_start3A_133 = arith.constant 0 : i32
    %dma_start3A_134 = arith.constant 0 : i32
    %dma_start3A_135 = tpu.memref_slice %arg6[%dma_start3A_131, %dma_start3A_133, %dma_start3A_134] : memref<3x32x1024xf32, #tpu.memory_space<vmem>> -> memref<1x32x1024xf32, #tpu.memory_space<vmem>>
    %dma_start3A_136 = tpu.memref_squeeze %dma_start3A_135 : memref<1x32x1024xf32, #tpu.memory_space<vmem>> -> memref<32x1024xf32, #tpu.memory_space<vmem>>
    %dma_start3A_137 = arith.constant 0 : i32
    %dma_start3A_138 = arith.constant 0 : i32
    %dma_start3A_139 = tpu.memref_slice %dma_start3A_136[%dma_start3A_137, %dma_start3A_138] : memref<32x1024xf32, #tpu.memory_space<vmem>> -> memref<16x1024xf32, #tpu.memory_space<vmem>>
    %dma_start3A_140 = arith.constant 64 : i32
    %dma_start3A_141 = tpu.memref_slice %arg5[%dma_start3A_140] : memref<1024xi32, #tpu.memory_space<vmem>> -> memref<16xi32, #tpu.memory_space<vmem>>
    %dma_start3A_142 = arith.constant 0 : i32
    %dma_start3A_143 = arith.constant 0 : i32
    %dma_start3A_144 = tpu.memref_slice %arg3[%dma_start3A_142, %dma_start3A_143] : memref<8192x1024xf32, #tpu.memory_space<hbm>> -> memref<8192x1024xf32, #tpu.memory_space<hbm>>
    %dma_start3A_145 = tpu.memref_slice %arg7[%dma_start3A_132] : memref<6x!tpu.dma_semaphore, #tpu.memory_space<semaphore_mem>> -> memref<1x!tpu.dma_semaphore, #tpu.memory_space<semaphore_mem>>
    %dma_start3A_146 = tpu.memref_squeeze %dma_start3A_145 : memref<1x!tpu.dma_semaphore, #tpu.memory_space<semaphore_mem>> -> memref<!tpu.dma_semaphore, #tpu.memory_space<semaphore_mem>>
    tpu.enqueue_indirect_dma source(%dma_start3A_144 : memref<8192x1024xf32, #tpu.memory_space<hbm>>) target(%dma_start3A_139 : memref<16x1024xf32, #tpu.memory_space<vmem>>) offsets(%dma_start3A_141 : memref<16xi32, #tpu.memory_space<vmem>>) semaphore(%dma_start3A_146 : memref<!tpu.dma_semaphore, #tpu.memory_space<semaphore_mem>>)
    %dma_start3A_147 = arith.constant 2 : i32
    %dma_start3A_148 = arith.constant 5 : i32
    %dma_start3A_149 = arith.constant 0 : i32
    %dma_start3A_150 = arith.constant 0 : i32
    %dma_start3A_151 = tpu.memref_slice %arg6[%dma_start3A_147, %dma_start3A_149, %dma_start3A_150] : memref<3x32x1024xf32, #tpu.memory_space<vmem>> -> memref<1x32x1024xf32, #tpu.memory_space<vmem>>
    %dma_start3A_152 = tpu.memref_squeeze %dma_start3A_151 : memref<1x32x1024xf32, #tpu.memory_space<vmem>> -> memref<32x1024xf32, #tpu.memory_space<vmem>>
    %dma_start3A_153 = arith.constant 16 : i32
    %dma_start3A_154 = arith.constant 0 : i32
    %dma_start3A_155 = tpu.memref_slice %dma_start3A_152[%dma_start3A_153, %dma_start3A_154] : memref<32x1024xf32, #tpu.memory_space<vmem>> -> memref<16x1024xf32, #tpu.memory_space<vmem>>
    %dma_start3A_156 = arith.constant 80 : i32
    %dma_start3A_157 = tpu.memref_slice %arg5[%dma_start3A_156] : memref<1024xi32, #tpu.memory_space<vmem>> -> memref<16xi32, #tpu.memory_space<vmem>>
    %dma_start3A_158 = arith.constant 0 : i32
    %dma_start3A_159 = arith.constant 0 : i32
    %dma_start3A_160 = tpu.memref_slice %arg3[%dma_start3A_158, %dma_start3A_159] : memref<8192x1024xf32, #tpu.memory_space<hbm>> -> memref<8192x1024xf32, #tpu.memory_space<hbm>>
    %dma_start3A_161 = tpu.memref_slice %arg7[%dma_start3A_148] : memref<6x!tpu.dma_semaphore, #tpu.memory_space<semaphore_mem>> -> memref<1x!tpu.dma_semaphore, #tpu.memory_space<semaphore_mem>>
    %dma_start3A_162 = tpu.memref_squeeze %dma_start3A_161 : memref<1x!tpu.dma_semaphore, #tpu.memory_space<semaphore_mem>> -> memref<!tpu.dma_semaphore, #tpu.memory_space<semaphore_mem>>
    tpu.enqueue_indirect_dma source(%dma_start3A_160 : memref<8192x1024xf32, #tpu.memory_space<hbm>>) target(%dma_start3A_155 : memref<16x1024xf32, #tpu.memory_space<vmem>>) offsets(%dma_start3A_157 : memref<16xi32, #tpu.memory_space<vmem>>) semaphore(%dma_start3A_162 : memref<!tpu.dma_semaphore, #tpu.memory_space<semaphore_mem>>)
    %dma_wait3A_163 = arith.constant 1 : i32
    %dma_wait3A_164 = arith.constant 2 : i32
    %dma_wait3A_165 = arith.constant 0 : i32
    %dma_wait3A_166 = arith.constant 0 : i32
    %dma_wait3A_167 = tpu.memref_slice %arg6[%dma_wait3A_163, %dma_wait3A_165, %dma_wait3A_166] : memref<3x32x1024xf32, #tpu.memory_space<vmem>> -> memref<1x32x1024xf32, #tpu.memory_space<vmem>>
    %dma_wait3A_168 = tpu.memref_squeeze %dma_wait3A_167 : memref<1x32x1024xf32, #tpu.memory_space<vmem>> -> memref<32x1024xf32, #tpu.memory_space<vmem>>
    %dma_wait3A_169 = arith.constant 0 : i32
    %dma_wait3A_170 = arith.constant 0 : i32
    %dma_wait3A_171 = tpu.memref_slice %dma_wait3A_168[%dma_wait3A_169, %dma_wait3A_170] : memref<32x1024xf32, #tpu.memory_space<vmem>> -> memref<16x1024xf32, #tpu.memory_space<vmem>>
    %dma_wait3A_172 = arith.constant 0 : i32
    %dma_wait3A_173 = arith.constant 0 : i32
    %dma_wait3A_174 = tpu.memref_slice %arg3[%dma_wait3A_172, %dma_wait3A_173] : memref<8192x1024xf32, #tpu.memory_space<hbm>> -> memref<16x1024xf32, #tpu.memory_space<hbm>>
    %dma_wait3A_175 = tpu.memref_slice %arg7[%dma_wait3A_164] : memref<6x!tpu.dma_semaphore, #tpu.memory_space<semaphore_mem>> -> memref<1x!tpu.dma_semaphore, #tpu.memory_space<semaphore_mem>>
    %dma_wait3A_176 = tpu.memref_squeeze %dma_wait3A_175 : memref<1x!tpu.dma_semaphore, #tpu.memory_space<semaphore_mem>> -> memref<!tpu.dma_semaphore, #tpu.memory_space<semaphore_mem>>
    %dma_wait3A_177 = arith.constant 0 : i32
    %dma_wait3A_178 = arith.constant 0 : i32
    %dma_wait3A_179 = tpu.memref_slice %arg6[%dma_wait3A_163, %dma_wait3A_177, %dma_wait3A_178] : memref<3x32x1024xf32, #tpu.memory_space<vmem>> -> memref<1x32x1024xf32, #tpu.memory_space<vmem>>
    %dma_wait3A_180 = tpu.memref_squeeze %dma_wait3A_179 : memref<1x32x1024xf32, #tpu.memory_space<vmem>> -> memref<32x1024xf32, #tpu.memory_space<vmem>>
    %dma_wait3A_181 = arith.constant 0 : i32
    %dma_wait3A_182 = arith.constant 0 : i32
    %dma_wait3A_183 = tpu.memref_slice %dma_wait3A_180[%dma_wait3A_181, %dma_wait3A_182] : memref<32x1024xf32, #tpu.memory_space<vmem>> -> memref<16x1024xf32, #tpu.memory_space<vmem>>
    %dma_wait3A_184 = arith.constant 0 : i32
    %dma_wait3A_185 = arith.constant 0 : i32
    %dma_wait3A_186 = tpu.memref_slice %arg3[%dma_wait3A_184, %dma_wait3A_185] : memref<8192x1024xf32, #tpu.memory_space<hbm>> -> memref<16x1024xf32, #tpu.memory_space<hbm>>
    tpu.wait_dma2 semaphore(%dma_wait3A_176 : memref<!tpu.dma_semaphore, #tpu.memory_space<semaphore_mem>>) src(%dma_wait3A_186 : memref<16x1024xf32, #tpu.memory_space<hbm>>) dst(%dma_wait3A_183 : memref<16x1024xf32, #tpu.memory_space<vmem>>)
    %dma_wait3A_187 = arith.constant 1 : i32
    %dma_wait3A_188 = arith.constant 3 : i32
    %dma_wait3A_189 = arith.constant 0 : i32
    %dma_wait3A_190 = arith.constant 0 : i32
    %dma_wait3A_191 = tpu.memref_slice %arg6[%dma_wait3A_187, %dma_wait3A_189, %dma_wait3A_190] : memref<3x32x1024xf32, #tpu.memory_space<vmem>> -> memref<1x32x1024xf32, #tpu.memory_space<vmem>>
    %dma_wait3A_192 = tpu.memref_squeeze %dma_wait3A_191 : memref<1x32x1024xf32, #tpu.memory_space<vmem>> -> memref<32x1024xf32, #tpu.memory_space<vmem>>
    %dma_wait3A_193 = arith.constant 16 : i32
    %dma_wait3A_194 = arith.constant 0 : i32
    %dma_wait3A_195 = tpu.memref_slice %dma_wait3A_192[%dma_wait3A_193, %dma_wait3A_194] : memref<32x1024xf32, #tpu.memory_space<vmem>> -> memref<16x1024xf32, #tpu.memory_space<vmem>>
    %dma_wait3A_196 = arith.constant 0 : i32
    %dma_wait3A_197 = arith.constant 0 : i32
    %dma_wait3A_198 = tpu.memref_slice %arg3[%dma_wait3A_196, %dma_wait3A_197] : memref<8192x1024xf32, #tpu.memory_space<hbm>> -> memref<16x1024xf32, #tpu.memory_space<hbm>>
    %dma_wait3A_199 = tpu.memref_slice %arg7[%dma_wait3A_188] : memref<6x!tpu.dma_semaphore, #tpu.memory_space<semaphore_mem>> -> memref<1x!tpu.dma_semaphore, #tpu.memory_space<semaphore_mem>>
    %dma_wait3A_200 = tpu.memref_squeeze %dma_wait3A_199 : memref<1x!tpu.dma_semaphore, #tpu.memory_space<semaphore_mem>> -> memref<!tpu.dma_semaphore, #tpu.memory_space<semaphore_mem>>
    %dma_wait3A_201 = arith.constant 0 : i32
    %dma_wait3A_202 = arith.constant 0 : i32
    %dma_wait3A_203 = tpu.memref_slice %arg6[%dma_wait3A_187, %dma_wait3A_201, %dma_wait3A_202] : memref<3x32x1024xf32, #tpu.memory_space<vmem>> -> memref<1x32x1024xf32, #tpu.memory_space<vmem>>
    %dma_wait3A_204 = tpu.memref_squeeze %dma_wait3A_203 : memref<1x32x1024xf32, #tpu.memory_space<vmem>> -> memref<32x1024xf32, #tpu.memory_space<vmem>>
    %dma_wait3A_205 = arith.constant 16 : i32
    %dma_wait3A_206 = arith.constant 0 : i32
    %dma_wait3A_207 = tpu.memref_slice %dma_wait3A_204[%dma_wait3A_205, %dma_wait3A_206] : memref<32x1024xf32, #tpu.memory_space<vmem>> -> memref<16x1024xf32, #tpu.memory_space<vmem>>
    %dma_wait3A_208 = arith.constant 0 : i32
    %dma_wait3A_209 = arith.constant 0 : i32
    %dma_wait3A_210 = tpu.memref_slice %arg3[%dma_wait3A_208, %dma_wait3A_209] : memref<8192x1024xf32, #tpu.memory_space<hbm>> -> memref<16x1024xf32, #tpu.memory_space<hbm>>
    tpu.wait_dma2 semaphore(%dma_wait3A_200 : memref<!tpu.dma_semaphore, #tpu.memory_space<semaphore_mem>>) src(%dma_wait3A_210 : memref<16x1024xf32, #tpu.memory_space<hbm>>) dst(%dma_wait3A_207 : memref<16x1024xf32, #tpu.memory_space<vmem>>)
    %add3A_211 = arith.constant 32 : i32
    %add3A_212 = arith.addi %mul3A_2, %add3A_211 : i32
    %dma_start3A_213 = arith.constant 1 : i32
    %dma_start3A_214 = arith.constant 1 : i32
    %dma_start3A_215 = arith.constant 0 : i32
    %dma_start3A_216 = arith.constant 0 : i32
    %dma_start3A_217 = tpu.memref_slice %arg6[%dma_start3A_213, %dma_start3A_215, %dma_start3A_216] : memref<3x32x1024xf32, #tpu.memory_space<vmem>> -> memref<1x32x1024xf32, #tpu.memory_space<vmem>>
    %dma_start3A_218 = tpu.memref_squeeze %dma_start3A_217 : memref<1x32x1024xf32, #tpu.memory_space<vmem>> -> memref<32x1024xf32, #tpu.memory_space<vmem>>
    %dma_start3A_219 = arith.constant 0 : i32
    %dma_start3A_220 = tpu.memref_slice %arg4[%add3A_212, %dma_start3A_219] : memref<32768x1024xf32, #tpu.memory_space<hbm>> -> memref<32x1024xf32, #tpu.memory_space<hbm>>
    %dma_start3A_221 = tpu.memref_slice %arg8[%dma_start3A_214] : memref<3x!tpu.dma_semaphore, #tpu.memory_space<semaphore_mem>> -> memref<1x!tpu.dma_semaphore, #tpu.memory_space<semaphore_mem>>
    %dma_start3A_222 = tpu.memref_squeeze %dma_start3A_221 : memref<1x!tpu.dma_semaphore, #tpu.memory_space<semaphore_mem>> -> memref<!tpu.dma_semaphore, #tpu.memory_space<semaphore_mem>>
    %dma_start3A_223 = arith.constant 0 : i32
    %dma_start3A_224 = tpu.memref_slice %arg4[%add3A_212, %dma_start3A_223] : memref<32768x1024xf32, #tpu.memory_space<hbm>> -> memref<32x1024xf32, #tpu.memory_space<hbm>>
    %dma_start3A_225 = arith.constant 0 : i32
    %dma_start3A_226 = arith.constant 0 : i32
    %dma_start3A_227 = tpu.memref_slice %arg6[%dma_start3A_213, %dma_start3A_225, %dma_start3A_226] : memref<3x32x1024xf32, #tpu.memory_space<vmem>> -> memref<1x32x1024xf32, #tpu.memory_space<vmem>>
    %dma_start3A_228 = tpu.memref_squeeze %dma_start3A_227 : memref<1x32x1024xf32, #tpu.memory_space<vmem>> -> memref<32x1024xf32, #tpu.memory_space<vmem>>
    tpu.enqueue_dma source(%dma_start3A_228 : memref<32x1024xf32, #tpu.memory_space<vmem>>) target(%dma_start3A_224 : memref<32x1024xf32, #tpu.memory_space<hbm>>) target_semaphore(%dma_start3A_222 : memref<!tpu.dma_semaphore, #tpu.memory_space<semaphore_mem>>)
    %dma_wait3A_229 = arith.constant 0 : i32
    %dma_wait3A_230 = arith.constant 0 : i32
    %dma_wait3A_231 = arith.constant 0 : i32
    %dma_wait3A_232 = arith.constant 0 : i32
    %dma_wait3A_233 = tpu.memref_slice %arg6[%dma_wait3A_229, %dma_wait3A_231, %dma_wait3A_232] : memref<3x32x1024xf32, #tpu.memory_space<vmem>> -> memref<1x32x1024xf32, #tpu.memory_space<vmem>>
    %dma_wait3A_234 = tpu.memref_squeeze %dma_wait3A_233 : memref<1x32x1024xf32, #tpu.memory_space<vmem>> -> memref<32x1024xf32, #tpu.memory_space<vmem>>
    %dma_wait3A_235 = arith.constant 0 : i32
    %dma_wait3A_236 = tpu.memref_slice %arg4[%mul3A_2, %dma_wait3A_235] : memref<32768x1024xf32, #tpu.memory_space<hbm>> -> memref<32x1024xf32, #tpu.memory_space<hbm>>
    %dma_wait3A_237 = tpu.memref_slice %arg8[%dma_wait3A_230] : memref<3x!tpu.dma_semaphore, #tpu.memory_space<semaphore_mem>> -> memref<1x!tpu.dma_semaphore, #tpu.memory_space<semaphore_mem>>
    %dma_wait3A_238 = tpu.memref_squeeze %dma_wait3A_237 : memref<1x!tpu.dma_semaphore, #tpu.memory_space<semaphore_mem>> -> memref<!tpu.dma_semaphore, #tpu.memory_space<semaphore_mem>>
    %dma_wait3A_239 = arith.constant 0 : i32
    %dma_wait3A_240 = tpu.memref_slice %arg4[%mul3A_2, %dma_wait3A_239] : memref<32768x1024xf32, #tpu.memory_space<hbm>> -> memref<32x1024xf32, #tpu.memory_space<hbm>>
    %dma_wait3A_241 = arith.constant 0 : i32
    %dma_wait3A_242 = arith.constant 0 : i32
    %dma_wait3A_243 = tpu.memref_slice %arg6[%dma_wait3A_229, %dma_wait3A_241, %dma_wait3A_242] : memref<3x32x1024xf32, #tpu.memory_space<vmem>> -> memref<1x32x1024xf32, #tpu.memory_space<vmem>>
    %dma_wait3A_244 = tpu.memref_squeeze %dma_wait3A_243 : memref<1x32x1024xf32, #tpu.memory_space<vmem>> -> memref<32x1024xf32, #tpu.memory_space<vmem>>
    tpu.wait_dma2 semaphore(%dma_wait3A_238 : memref<!tpu.dma_semaphore, #tpu.memory_space<semaphore_mem>>) src(%dma_wait3A_244 : memref<32x1024xf32, #tpu.memory_space<vmem>>) dst(%dma_wait3A_240 : memref<32x1024xf32, #tpu.memory_space<hbm>>)
    %dma_start3A_245 = arith.constant 0 : i32
    %dma_start3A_246 = arith.constant 0 : i32
    %dma_start3A_247 = arith.constant 0 : i32
    %dma_start3A_248 = arith.constant 0 : i32
    %dma_start3A_249 = tpu.memref_slice %arg6[%dma_start3A_245, %dma_start3A_247, %dma_start3A_248] : memref<3x32x1024xf32, #tpu.memory_space<vmem>> -> memref<1x32x1024xf32, #tpu.memory_space<vmem>>
    %dma_start3A_250 = tpu.memref_squeeze %dma_start3A_249 : memref<1x32x1024xf32, #tpu.memory_space<vmem>> -> memref<32x1024xf32, #tpu.memory_space<vmem>>
    %dma_start3A_251 = arith.constant 0 : i32
    %dma_start3A_252 = arith.constant 0 : i32
    %dma_start3A_253 = tpu.memref_slice %dma_start3A_250[%dma_start3A_251, %dma_start3A_252] : memref<32x1024xf32, #tpu.memory_space<vmem>> -> memref<16x1024xf32, #tpu.memory_space<vmem>>
    %dma_start3A_254 = arith.constant 96 : i32
    %dma_start3A_255 = tpu.memref_slice %arg5[%dma_start3A_254] : memref<1024xi32, #tpu.memory_space<vmem>> -> memref<16xi32, #tpu.memory_space<vmem>>
    %dma_start3A_256 = arith.constant 0 : i32
    %dma_start3A_257 = arith.constant 0 : i32
    %dma_start3A_258 = tpu.memref_slice %arg3[%dma_start3A_256, %dma_start3A_257] : memref<8192x1024xf32, #tpu.memory_space<hbm>> -> memref<8192x1024xf32, #tpu.memory_space<hbm>>
    %dma_start3A_259 = tpu.memref_slice %arg7[%dma_start3A_246] : memref<6x!tpu.dma_semaphore, #tpu.memory_space<semaphore_mem>> -> memref<1x!tpu.dma_semaphore, #tpu.memory_space<semaphore_mem>>
    %dma_start3A_260 = tpu.memref_squeeze %dma_start3A_259 : memref<1x!tpu.dma_semaphore, #tpu.memory_space<semaphore_mem>> -> memref<!tpu.dma_semaphore, #tpu.memory_space<semaphore_mem>>
    tpu.enqueue_indirect_dma source(%dma_start3A_258 : memref<8192x1024xf32, #tpu.memory_space<hbm>>) target(%dma_start3A_253 : memref<16x1024xf32, #tpu.memory_space<vmem>>) offsets(%dma_start3A_255 : memref<16xi32, #tpu.memory_space<vmem>>) semaphore(%dma_start3A_260 : memref<!tpu.dma_semaphore, #tpu.memory_space<semaphore_mem>>)
    %dma_start3A_261 = arith.constant 0 : i32
    %dma_start3A_262 = arith.constant 1 : i32
    %dma_start3A_263 = arith.constant 0 : i32
    %dma_start3A_264 = arith.constant 0 : i32
    %dma_start3A_265 = tpu.memref_slice %arg6[%dma_start3A_261, %dma_start3A_263, %dma_start3A_264] : memref<3x32x1024xf32, #tpu.memory_space<vmem>> -> memref<1x32x1024xf32, #tpu.memory_space<vmem>>
    %dma_start3A_266 = tpu.memref_squeeze %dma_start3A_265 : memref<1x32x1024xf32, #tpu.memory_space<vmem>> -> memref<32x1024xf32, #tpu.memory_space<vmem>>
    %dma_start3A_267 = arith.constant 16 : i32
    %dma_start3A_268 = arith.constant 0 : i32
    %dma_start3A_269 = tpu.memref_slice %dma_start3A_266[%dma_start3A_267, %dma_start3A_268] : memref<32x1024xf32, #tpu.memory_space<vmem>> -> memref<16x1024xf32, #tpu.memory_space<vmem>>
    %dma_start3A_270 = arith.constant 112 : i32
    %dma_start3A_271 = tpu.memref_slice %arg5[%dma_start3A_270] : memref<1024xi32, #tpu.memory_space<vmem>> -> memref<16xi32, #tpu.memory_space<vmem>>
    %dma_start3A_272 = arith.constant 0 : i32
    %dma_start3A_273 = arith.constant 0 : i32
    %dma_start3A_274 = tpu.memref_slice %arg3[%dma_start3A_272, %dma_start3A_273] : memref<8192x1024xf32, #tpu.memory_space<hbm>> -> memref<8192x1024xf32, #tpu.memory_space<hbm>>
    %dma_start3A_275 = tpu.memref_slice %arg7[%dma_start3A_262] : memref<6x!tpu.dma_semaphore, #tpu.memory_space<semaphore_mem>> -> memref<1x!tpu.dma_semaphore, #tpu.memory_space<semaphore_mem>>
    %dma_start3A_276 = tpu.memref_squeeze %dma_start3A_275 : memref<1x!tpu.dma_semaphore, #tpu.memory_space<semaphore_mem>> -> memref<!tpu.dma_semaphore, #tpu.memory_space<semaphore_mem>>
    tpu.enqueue_indirect_dma source(%dma_start3A_274 : memref<8192x1024xf32, #tpu.memory_space<hbm>>) target(%dma_start3A_269 : memref<16x1024xf32, #tpu.memory_space<vmem>>) offsets(%dma_start3A_271 : memref<16xi32, #tpu.memory_space<vmem>>) semaphore(%dma_start3A_276 : memref<!tpu.dma_semaphore, #tpu.memory_space<semaphore_mem>>)
    %scan3A = arith.constant 0 : i32
    %scan3A_277 = arith.constant 9 : i32
    %scan3A_278 = arith.addi %scan3A, %scan3A_277 : i32
    %scan3A_279 = arith.constant 1 : i32
    scf.for %scan3A_575 = %scan3A to %scan3A_278 step %scan3A_279  : i32 {
      %mul3A_576 = arith.constant 3 : i32
      %mul3A_577 = arith.muli %mul3A_576, %scan3A_575 : i32
      %add3A_578 = arith.constant 2 : i32
      %add3A_579 = arith.addi %add3A_578, %mul3A_577 : i32
      %add3A_580 = arith.constant 0 : i32
      %add3A_581 = arith.addi %add3A_579, %add3A_580 : i32
      %jit3A = arith.constant 3 : i32
      %eq3A = arith.constant 0 : i32
      %eq3A_582 = arith.cmpi eq, %jit3A, %eq3A : i32
      %jit3A_583 = arith.constant 1 : i32
      %select_n3A = arith.select %eq3A_582, %jit3A_583, %jit3A : i32
      %rem3A = arith.remsi %add3A_581, %select_n3A : i32
      %ne3A = arith.constant 0 : i32
      %ne3A_584 = arith.cmpi ne, %rem3A, %ne3A : i32
      %lt3A = arith.constant 0 : i32
      %lt3A_585 = arith.cmpi slt, %rem3A, %lt3A : i32
      %lt3A_586 = arith.constant 0 : i32
      %lt3A_587 = arith.cmpi slt, %select_n3A, %lt3A_586 : i32
      %ne3A_588 = arith.xori %lt3A_585, %lt3A_587 : i1
      %and3A = arith.andi %ne3A_588, %ne3A_584 : i1
      %add3A_589 = arith.addi %rem3A, %select_n3A : i32
      %select_n3A_590 = arith.select %and3A, %add3A_589, %rem3A : i32
      %jit3A_591 = arith.constant 3 : i32
      %eq3A_592 = arith.constant 0 : i32
      %eq3A_593 = arith.cmpi eq, %jit3A_591, %eq3A_592 : i32
      %jit3A_594 = arith.constant 1 : i32
      %select_n3A_595 = arith.select %eq3A_593, %jit3A_594, %jit3A_591 : i32
      %rem3A_596 = arith.remsi %add3A_581, %select_n3A_595 : i32
      %ne3A_597 = arith.constant 0 : i32
      %ne3A_598 = arith.cmpi ne, %rem3A_596, %ne3A_597 : i32
      %lt3A_599 = arith.constant 0 : i32
      %lt3A_600 = arith.cmpi slt, %rem3A_596, %lt3A_599 : i32
      %lt3A_601 = arith.constant 0 : i32
      %lt3A_602 = arith.cmpi slt, %select_n3A_595, %lt3A_601 : i32
      %ne3A_603 = arith.xori %lt3A_600, %lt3A_602 : i1
      %and3A_604 = arith.andi %ne3A_603, %ne3A_598 : i1
      %add3A_605 = arith.addi %rem3A_596, %select_n3A_595 : i32
      %select_n3A_606 = arith.select %and3A_604, %add3A_605, %rem3A_596 : i32
      %mul3A_607 = arith.constant 2 : i32
      %mul3A_608 = arith.muli %select_n3A_606, %mul3A_607 : i32
      %add3A_609 = arith.constant 0 : i32
      %add3A_610 = arith.addi %mul3A_608, %add3A_609 : i32
      %dma_wait3A_611 = arith.constant 0 : i32
      %dma_wait3A_612 = arith.constant 0 : i32
      %dma_wait3A_613 = tpu.memref_slice %arg6[%select_n3A_590, %dma_wait3A_611, %dma_wait3A_612] : memref<3x32x1024xf32, #tpu.memory_space<vmem>> -> memref<1x32x1024xf32, #tpu.memory_space<vmem>>
      %dma_wait3A_614 = tpu.memref_squeeze %dma_wait3A_613 : memref<1x32x1024xf32, #tpu.memory_space<vmem>> -> memref<32x1024xf32, #tpu.memory_space<vmem>>
      %dma_wait3A_615 = arith.constant 0 : i32
      %dma_wait3A_616 = arith.constant 0 : i32
      %dma_wait3A_617 = tpu.memref_slice %dma_wait3A_614[%dma_wait3A_615, %dma_wait3A_616] : memref<32x1024xf32, #tpu.memory_space<vmem>> -> memref<16x1024xf32, #tpu.memory_space<vmem>>
      %dma_wait3A_618 = arith.constant 0 : i32
      %dma_wait3A_619 = arith.constant 0 : i32
      %dma_wait3A_620 = tpu.memref_slice %arg3[%dma_wait3A_618, %dma_wait3A_619] : memref<8192x1024xf32, #tpu.memory_space<hbm>> -> memref<16x1024xf32, #tpu.memory_space<hbm>>
      %dma_wait3A_621 = tpu.memref_slice %arg7[%add3A_610] : memref<6x!tpu.dma_semaphore, #tpu.memory_space<semaphore_mem>> -> memref<1x!tpu.dma_semaphore, #tpu.memory_space<semaphore_mem>>
      %dma_wait3A_622 = tpu.memref_squeeze %dma_wait3A_621 : memref<1x!tpu.dma_semaphore, #tpu.memory_space<semaphore_mem>> -> memref<!tpu.dma_semaphore, #tpu.memory_space<semaphore_mem>>
      %dma_wait3A_623 = arith.constant 0 : i32
      %dma_wait3A_624 = arith.constant 0 : i32
      %dma_wait3A_625 = tpu.memref_slice %arg6[%select_n3A_590, %dma_wait3A_623, %dma_wait3A_624] : memref<3x32x1024xf32, #tpu.memory_space<vmem>> -> memref<1x32x1024xf32, #tpu.memory_space<vmem>>
      %dma_wait3A_626 = tpu.memref_squeeze %dma_wait3A_625 : memref<1x32x1024xf32, #tpu.memory_space<vmem>> -> memref<32x1024xf32, #tpu.memory_space<vmem>>
      %dma_wait3A_627 = arith.constant 0 : i32
      %dma_wait3A_628 = arith.constant 0 : i32
      %dma_wait3A_629 = tpu.memref_slice %dma_wait3A_626[%dma_wait3A_627, %dma_wait3A_628] : memref<32x1024xf32, #tpu.memory_space<vmem>> -> memref<16x1024xf32, #tpu.memory_space<vmem>>
      %dma_wait3A_630 = arith.constant 0 : i32
      %dma_wait3A_631 = arith.constant 0 : i32
      %dma_wait3A_632 = tpu.memref_slice %arg3[%dma_wait3A_630, %dma_wait3A_631] : memref<8192x1024xf32, #tpu.memory_space<hbm>> -> memref<16x1024xf32, #tpu.memory_space<hbm>>
      tpu.wait_dma2 semaphore(%dma_wait3A_622 : memref<!tpu.dma_semaphore, #tpu.memory_space<semaphore_mem>>) src(%dma_wait3A_632 : memref<16x1024xf32, #tpu.memory_space<hbm>>) dst(%dma_wait3A_629 : memref<16x1024xf32, #tpu.memory_space<vmem>>)
      %jit3A_633 = arith.constant 3 : i32
      %eq3A_634 = arith.constant 0 : i32
      %eq3A_635 = arith.cmpi eq, %jit3A_633, %eq3A_634 : i32
      %jit3A_636 = arith.constant 1 : i32
      %select_n3A_637 = arith.select %eq3A_635, %jit3A_636, %jit3A_633 : i32
      %rem3A_638 = arith.remsi %add3A_581, %select_n3A_637 : i32
      %ne3A_639 = arith.constant 0 : i32
      %ne3A_640 = arith.cmpi ne, %rem3A_638, %ne3A_639 : i32
      %lt3A_641 = arith.constant 0 : i32
      %lt3A_642 = arith.cmpi slt, %rem3A_638, %lt3A_641 : i32
      %lt3A_643 = arith.constant 0 : i32
      %lt3A_644 = arith.cmpi slt, %select_n3A_637, %lt3A_643 : i32
      %ne3A_645 = arith.xori %lt3A_642, %lt3A_644 : i1
      %and3A_646 = arith.andi %ne3A_645, %ne3A_640 : i1
      %add3A_647 = arith.addi %rem3A_638, %select_n3A_637 : i32
      %select_n3A_648 = arith.select %and3A_646, %add3A_647, %rem3A_638 : i32
      %jit3A_649 = arith.constant 3 : i32
      %eq3A_650 = arith.constant 0 : i32
      %eq3A_651 = arith.cmpi eq, %jit3A_649, %eq3A_650 : i32
      %jit3A_652 = arith.constant 1 : i32
      %select_n3A_653 = arith.select %eq3A_651, %jit3A_652, %jit3A_649 : i32
      %rem3A_654 = arith.remsi %add3A_581, %select_n3A_653 : i32
      %ne3A_655 = arith.constant 0 : i32
      %ne3A_656 = arith.cmpi ne, %rem3A_654, %ne3A_655 : i32
      %lt3A_657 = arith.constant 0 : i32
      %lt3A_658 = arith.cmpi slt, %rem3A_654, %lt3A_657 : i32
      %lt3A_659 = arith.constant 0 : i32
      %lt3A_660 = arith.cmpi slt, %select_n3A_653, %lt3A_659 : i32
      %ne3A_661 = arith.xori %lt3A_658, %lt3A_660 : i1
      %and3A_662 = arith.andi %ne3A_661, %ne3A_656 : i1
      %add3A_663 = arith.addi %rem3A_654, %select_n3A_653 : i32
      %select_n3A_664 = arith.select %and3A_662, %add3A_663, %rem3A_654 : i32
      %mul3A_665 = arith.constant 2 : i32
      %mul3A_666 = arith.muli %select_n3A_664, %mul3A_665 : i32
      %add3A_667 = arith.constant 1 : i32
      %add3A_668 = arith.addi %mul3A_666, %add3A_667 : i32
      %dma_wait3A_669 = arith.constant 0 : i32
      %dma_wait3A_670 = arith.constant 0 : i32
      %dma_wait3A_671 = tpu.memref_slice %arg6[%select_n3A_648, %dma_wait3A_669, %dma_wait3A_670] : memref<3x32x1024xf32, #tpu.memory_space<vmem>> -> memref<1x32x1024xf32, #tpu.memory_space<vmem>>
      %dma_wait3A_672 = tpu.memref_squeeze %dma_wait3A_671 : memref<1x32x1024xf32, #tpu.memory_space<vmem>> -> memref<32x1024xf32, #tpu.memory_space<vmem>>
      %dma_wait3A_673 = arith.constant 16 : i32
      %dma_wait3A_674 = arith.constant 0 : i32
      %dma_wait3A_675 = tpu.memref_slice %dma_wait3A_672[%dma_wait3A_673, %dma_wait3A_674] : memref<32x1024xf32, #tpu.memory_space<vmem>> -> memref<16x1024xf32, #tpu.memory_space<vmem>>
      %dma_wait3A_676 = arith.constant 0 : i32
      %dma_wait3A_677 = arith.constant 0 : i32
      %dma_wait3A_678 = tpu.memref_slice %arg3[%dma_wait3A_676, %dma_wait3A_677] : memref<8192x1024xf32, #tpu.memory_space<hbm>> -> memref<16x1024xf32, #tpu.memory_space<hbm>>
      %dma_wait3A_679 = tpu.memref_slice %arg7[%add3A_668] : memref<6x!tpu.dma_semaphore, #tpu.memory_space<semaphore_mem>> -> memref<1x!tpu.dma_semaphore, #tpu.memory_space<semaphore_mem>>
      %dma_wait3A_680 = tpu.memref_squeeze %dma_wait3A_679 : memref<1x!tpu.dma_semaphore, #tpu.memory_space<semaphore_mem>> -> memref<!tpu.dma_semaphore, #tpu.memory_space<semaphore_mem>>
      %dma_wait3A_681 = arith.constant 0 : i32
      %dma_wait3A_682 = arith.constant 0 : i32
      %dma_wait3A_683 = tpu.memref_slice %arg6[%select_n3A_648, %dma_wait3A_681, %dma_wait3A_682] : memref<3x32x1024xf32, #tpu.memory_space<vmem>> -> memref<1x32x1024xf32, #tpu.memory_space<vmem>>
      %dma_wait3A_684 = tpu.memref_squeeze %dma_wait3A_683 : memref<1x32x1024xf32, #tpu.memory_space<vmem>> -> memref<32x1024xf32, #tpu.memory_space<vmem>>
      %dma_wait3A_685 = arith.constant 16 : i32
      %dma_wait3A_686 = arith.constant 0 : i32
      %dma_wait3A_687 = tpu.memref_slice %dma_wait3A_684[%dma_wait3A_685, %dma_wait3A_686] : memref<32x1024xf32, #tpu.memory_space<vmem>> -> memref<16x1024xf32, #tpu.memory_space<vmem>>
      %dma_wait3A_688 = arith.constant 0 : i32
      %dma_wait3A_689 = arith.constant 0 : i32
      %dma_wait3A_690 = tpu.memref_slice %arg3[%dma_wait3A_688, %dma_wait3A_689] : memref<8192x1024xf32, #tpu.memory_space<hbm>> -> memref<16x1024xf32, #tpu.memory_space<hbm>>
      tpu.wait_dma2 semaphore(%dma_wait3A_680 : memref<!tpu.dma_semaphore, #tpu.memory_space<semaphore_mem>>) src(%dma_wait3A_690 : memref<16x1024xf32, #tpu.memory_space<hbm>>) dst(%dma_wait3A_687 : memref<16x1024xf32, #tpu.memory_space<vmem>>)
      %jit3A_691 = arith.constant 3 : i32
      %eq3A_692 = arith.constant 0 : i32
      %eq3A_693 = arith.cmpi eq, %jit3A_691, %eq3A_692 : i32
      %jit3A_694 = arith.constant 1 : i32
      %select_n3A_695 = arith.select %eq3A_693, %jit3A_694, %jit3A_691 : i32
      %rem3A_696 = arith.remsi %add3A_581, %select_n3A_695 : i32
      %ne3A_697 = arith.constant 0 : i32
      %ne3A_698 = arith.cmpi ne, %rem3A_696, %ne3A_697 : i32
      %lt3A_699 = arith.constant 0 : i32
      %lt3A_700 = arith.cmpi slt, %rem3A_696, %lt3A_699 : i32
      %lt3A_701 = arith.constant 0 : i32
      %lt3A_702 = arith.cmpi slt, %select_n3A_695, %lt3A_701 : i32
      %ne3A_703 = arith.xori %lt3A_700, %lt3A_702 : i1
      %and3A_704 = arith.andi %ne3A_703, %ne3A_698 : i1
      %add3A_705 = arith.addi %rem3A_696, %select_n3A_695 : i32
      %select_n3A_706 = arith.select %and3A_704, %add3A_705, %rem3A_696 : i32
      %mul3A_707 = arith.constant 2 : i32
      %mul3A_708 = arith.muli %add3A_581, %mul3A_707 : i32
      %mul3A_709 = arith.constant 16 : i32
      %mul3A_710 = arith.muli %mul3A_708, %mul3A_709 : i32
      %add3A_711 = arith.addi %mul3A_2, %mul3A_710 : i32
      %jit3A_712 = arith.constant 3 : i32
      %eq3A_713 = arith.constant 0 : i32
      %eq3A_714 = arith.cmpi eq, %jit3A_712, %eq3A_713 : i32
      %jit3A_715 = arith.constant 1 : i32
      %select_n3A_716 = arith.select %eq3A_714, %jit3A_715, %jit3A_712 : i32
      %rem3A_717 = arith.remsi %add3A_581, %select_n3A_716 : i32
      %ne3A_718 = arith.constant 0 : i32
      %ne3A_719 = arith.cmpi ne, %rem3A_717, %ne3A_718 : i32
      %lt3A_720 = arith.constant 0 : i32
      %lt3A_721 = arith.cmpi slt, %rem3A_717, %lt3A_720 : i32
      %lt3A_722 = arith.constant 0 : i32
      %lt3A_723 = arith.cmpi slt, %select_n3A_716, %lt3A_722 : i32
      %ne3A_724 = arith.xori %lt3A_721, %lt3A_723 : i1
      %and3A_725 = arith.andi %ne3A_724, %ne3A_719 : i1
      %add3A_726 = arith.addi %rem3A_717, %select_n3A_716 : i32
      %select_n3A_727 = arith.select %and3A_725, %add3A_726, %rem3A_717 : i32
      %dma_start3A_728 = arith.constant 0 : i32
      %dma_start3A_729 = arith.constant 0 : i32
      %dma_start3A_730 = tpu.memref_slice %arg6[%select_n3A_706, %dma_start3A_728, %dma_start3A_729] : memref<3x32x1024xf32, #tpu.memory_space<vmem>> -> memref<1x32x1024xf32, #tpu.memory_space<vmem>>
      %dma_start3A_731 = tpu.memref_squeeze %dma_start3A_730 : memref<1x32x1024xf32, #tpu.memory_space<vmem>> -> memref<32x1024xf32, #tpu.memory_space<vmem>>
      %dma_start3A_732 = arith.constant 0 : i32
      %dma_start3A_733 = tpu.memref_slice %arg4[%add3A_711, %dma_start3A_732] : memref<32768x1024xf32, #tpu.memory_space<hbm>> -> memref<32x1024xf32, #tpu.memory_space<hbm>>
      %dma_start3A_734 = tpu.memref_slice %arg8[%select_n3A_727] : memref<3x!tpu.dma_semaphore, #tpu.memory_space<semaphore_mem>> -> memref<1x!tpu.dma_semaphore, #tpu.memory_space<semaphore_mem>>
      %dma_start3A_735 = tpu.memref_squeeze %dma_start3A_734 : memref<1x!tpu.dma_semaphore, #tpu.memory_space<semaphore_mem>> -> memref<!tpu.dma_semaphore, #tpu.memory_space<semaphore_mem>>
      %dma_start3A_736 = arith.constant 0 : i32
      %dma_start3A_737 = tpu.memref_slice %arg4[%add3A_711, %dma_start3A_736] : memref<32768x1024xf32, #tpu.memory_space<hbm>> -> memref<32x1024xf32, #tpu.memory_space<hbm>>
      %dma_start3A_738 = arith.constant 0 : i32
      %dma_start3A_739 = arith.constant 0 : i32
      %dma_start3A_740 = tpu.memref_slice %arg6[%select_n3A_706, %dma_start3A_738, %dma_start3A_739] : memref<3x32x1024xf32, #tpu.memory_space<vmem>> -> memref<1x32x1024xf32, #tpu.memory_space<vmem>>
      %dma_start3A_741 = tpu.memref_squeeze %dma_start3A_740 : memref<1x32x1024xf32, #tpu.memory_space<vmem>> -> memref<32x1024xf32, #tpu.memory_space<vmem>>
      tpu.enqueue_dma source(%dma_start3A_741 : memref<32x1024xf32, #tpu.memory_space<vmem>>) target(%dma_start3A_737 : memref<32x1024xf32, #tpu.memory_space<hbm>>) target_semaphore(%dma_start3A_735 : memref<!tpu.dma_semaphore, #tpu.memory_space<semaphore_mem>>)
      %add3A_742 = arith.constant 2 : i32
      %add3A_743 = arith.addi %add3A_581, %add3A_742 : i32
      %jit3A_744 = arith.constant 3 : i32
      %eq3A_745 = arith.constant 0 : i32
      %eq3A_746 = arith.cmpi eq, %jit3A_744, %eq3A_745 : i32
      %jit3A_747 = arith.constant 1 : i32
      %select_n3A_748 = arith.select %eq3A_746, %jit3A_747, %jit3A_744 : i32
      %rem3A_749 = arith.remsi %add3A_743, %select_n3A_748 : i32
      %ne3A_750 = arith.constant 0 : i32
      %ne3A_751 = arith.cmpi ne, %rem3A_749, %ne3A_750 : i32
      %lt3A_752 = arith.constant 0 : i32
      %lt3A_753 = arith.cmpi slt, %rem3A_749, %lt3A_752 : i32
      %lt3A_754 = arith.constant 0 : i32
      %lt3A_755 = arith.cmpi slt, %select_n3A_748, %lt3A_754 : i32
      %ne3A_756 = arith.xori %lt3A_753, %lt3A_755 : i1
      %and3A_757 = arith.andi %ne3A_756, %ne3A_751 : i1
      %add3A_758 = arith.addi %rem3A_749, %select_n3A_748 : i32
      %select_n3A_759 = arith.select %and3A_757, %add3A_758, %rem3A_749 : i32
      %jit3A_760 = arith.constant 3 : i32
      %eq3A_761 = arith.constant 0 : i32
      %eq3A_762 = arith.cmpi eq, %jit3A_760, %eq3A_761 : i32
      %jit3A_763 = arith.constant 1 : i32
      %select_n3A_764 = arith.select %eq3A_762, %jit3A_763, %jit3A_760 : i32
      %rem3A_765 = arith.remsi %add3A_743, %select_n3A_764 : i32
      %ne3A_766 = arith.constant 0 : i32
      %ne3A_767 = arith.cmpi ne, %rem3A_765, %ne3A_766 : i32
      %lt3A_768 = arith.constant 0 : i32
      %lt3A_769 = arith.cmpi slt, %rem3A_765, %lt3A_768 : i32
      %lt3A_770 = arith.constant 0 : i32
      %lt3A_771 = arith.cmpi slt, %select_n3A_764, %lt3A_770 : i32
      %ne3A_772 = arith.xori %lt3A_769, %lt3A_771 : i1
      %and3A_773 = arith.andi %ne3A_772, %ne3A_767 : i1
      %add3A_774 = arith.addi %rem3A_765, %select_n3A_764 : i32
      %select_n3A_775 = arith.select %and3A_773, %add3A_774, %rem3A_765 : i32
      %dma_wait3A_776 = arith.constant 0 : i32
      %dma_wait3A_777 = arith.constant 0 : i32
      %dma_wait3A_778 = tpu.memref_slice %arg6[%select_n3A_759, %dma_wait3A_776, %dma_wait3A_777] : memref<3x32x1024xf32, #tpu.memory_space<vmem>> -> memref<1x32x1024xf32, #tpu.memory_space<vmem>>
      %dma_wait3A_779 = tpu.memref_squeeze %dma_wait3A_778 : memref<1x32x1024xf32, #tpu.memory_space<vmem>> -> memref<32x1024xf32, #tpu.memory_space<vmem>>
      %dma_wait3A_780 = arith.constant 0 : i32
      %dma_wait3A_781 = tpu.memref_slice %arg4[%mul3A_2, %dma_wait3A_780] : memref<32768x1024xf32, #tpu.memory_space<hbm>> -> memref<32x1024xf32, #tpu.memory_space<hbm>>
      %dma_wait3A_782 = tpu.memref_slice %arg8[%select_n3A_775] : memref<3x!tpu.dma_semaphore, #tpu.memory_space<semaphore_mem>> -> memref<1x!tpu.dma_semaphore, #tpu.memory_space<semaphore_mem>>
      %dma_wait3A_783 = tpu.memref_squeeze %dma_wait3A_782 : memref<1x!tpu.dma_semaphore, #tpu.memory_space<semaphore_mem>> -> memref<!tpu.dma_semaphore, #tpu.memory_space<semaphore_mem>>
      %dma_wait3A_784 = arith.constant 0 : i32
      %dma_wait3A_785 = tpu.memref_slice %arg4[%mul3A_2, %dma_wait3A_784] : memref<32768x1024xf32, #tpu.memory_space<hbm>> -> memref<32x1024xf32, #tpu.memory_space<hbm>>
      %dma_wait3A_786 = arith.constant 0 : i32
      %dma_wait3A_787 = arith.constant 0 : i32
      %dma_wait3A_788 = tpu.memref_slice %arg6[%select_n3A_759, %dma_wait3A_786, %dma_wait3A_787] : memref<3x32x1024xf32, #tpu.memory_space<vmem>> -> memref<1x32x1024xf32, #tpu.memory_space<vmem>>
      %dma_wait3A_789 = tpu.memref_squeeze %dma_wait3A_788 : memref<1x32x1024xf32, #tpu.memory_space<vmem>> -> memref<32x1024xf32, #tpu.memory_space<vmem>>
      tpu.wait_dma2 semaphore(%dma_wait3A_783 : memref<!tpu.dma_semaphore, #tpu.memory_space<semaphore_mem>>) src(%dma_wait3A_789 : memref<32x1024xf32, #tpu.memory_space<vmem>>) dst(%dma_wait3A_785 : memref<32x1024xf32, #tpu.memory_space<hbm>>)
      %add3A_790 = arith.constant 2 : i32
      %add3A_791 = arith.addi %add3A_581, %add3A_790 : i32
      %mul3A_792 = arith.constant 2 : i32
      %mul3A_793 = arith.muli %add3A_791, %mul3A_792 : i32
      %add3A_794 = arith.constant 0 : i32
      %add3A_795 = arith.addi %mul3A_793, %add3A_794 : i32
      %mul3A_796 = arith.constant 16 : i32
      %mul3A_797 = arith.muli %add3A_795, %mul3A_796 : i32
      %jit3A_798 = arith.constant 3 : i32
      %eq3A_799 = arith.constant 0 : i32
      %eq3A_800 = arith.cmpi eq, %jit3A_798, %eq3A_799 : i32
      %jit3A_801 = arith.constant 1 : i32
      %select_n3A_802 = arith.select %eq3A_800, %jit3A_801, %jit3A_798 : i32
      %rem3A_803 = arith.remsi %add3A_791, %select_n3A_802 : i32
      %ne3A_804 = arith.constant 0 : i32
      %ne3A_805 = arith.cmpi ne, %rem3A_803, %ne3A_804 : i32
      %lt3A_806 = arith.constant 0 : i32
      %lt3A_807 = arith.cmpi slt, %rem3A_803, %lt3A_806 : i32
      %lt3A_808 = arith.constant 0 : i32
      %lt3A_809 = arith.cmpi slt, %select_n3A_802, %lt3A_808 : i32
      %ne3A_810 = arith.xori %lt3A_807, %lt3A_809 : i1
      %and3A_811 = arith.andi %ne3A_810, %ne3A_805 : i1
      %add3A_812 = arith.addi %rem3A_803, %select_n3A_802 : i32
      %select_n3A_813 = arith.select %and3A_811, %add3A_812, %rem3A_803 : i32
      %jit3A_814 = arith.constant 3 : i32
      %eq3A_815 = arith.constant 0 : i32
      %eq3A_816 = arith.cmpi eq, %jit3A_814, %eq3A_815 : i32
      %jit3A_817 = arith.constant 1 : i32
      %select_n3A_818 = arith.select %eq3A_816, %jit3A_817, %jit3A_814 : i32
      %rem3A_819 = arith.remsi %add3A_791, %select_n3A_818 : i32
      %ne3A_820 = arith.constant 0 : i32
      %ne3A_821 = arith.cmpi ne, %rem3A_819, %ne3A_820 : i32
      %lt3A_822 = arith.constant 0 : i32
      %lt3A_823 = arith.cmpi slt, %rem3A_819, %lt3A_822 : i32
      %lt3A_824 = arith.constant 0 : i32
      %lt3A_825 = arith.cmpi slt, %select_n3A_818, %lt3A_824 : i32
      %ne3A_826 = arith.xori %lt3A_823, %lt3A_825 : i1
      %and3A_827 = arith.andi %ne3A_826, %ne3A_821 : i1
      %add3A_828 = arith.addi %rem3A_819, %select_n3A_818 : i32
      %select_n3A_829 = arith.select %and3A_827, %add3A_828, %rem3A_819 : i32
      %mul3A_830 = arith.constant 2 : i32
      %mul3A_831 = arith.muli %select_n3A_829, %mul3A_830 : i32
      %add3A_832 = arith.constant 0 : i32
      %add3A_833 = arith.addi %mul3A_831, %add3A_832 : i32
      %dma_start3A_834 = arith.constant 0 : i32
      %dma_start3A_835 = arith.constant 0 : i32
      %dma_start3A_836 = tpu.memref_slice %arg6[%select_n3A_813, %dma_start3A_834, %dma_start3A_835] : memref<3x32x1024xf32, #tpu.memory_space<vmem>> -> memref<1x32x1024xf32, #tpu.memory_space<vmem>>
      %dma_start3A_837 = tpu.memref_squeeze %dma_start3A_836 : memref<1x32x1024xf32, #tpu.memory_space<vmem>> -> memref<32x1024xf32, #tpu.memory_space<vmem>>
      %dma_start3A_838 = arith.constant 0 : i32
      %dma_start3A_839 = arith.constant 0 : i32
      %dma_start3A_840 = tpu.memref_slice %dma_start3A_837[%dma_start3A_838, %dma_start3A_839] : memref<32x1024xf32, #tpu.memory_space<vmem>> -> memref<16x1024xf32, #tpu.memory_space<vmem>>
      %dma_start3A_841 = tpu.memref_slice %arg5[%mul3A_797] : memref<1024xi32, #tpu.memory_space<vmem>> -> memref<16xi32, #tpu.memory_space<vmem>>
      %dma_start3A_842 = arith.constant 0 : i32
      %dma_start3A_843 = arith.constant 0 : i32
      %dma_start3A_844 = tpu.memref_slice %arg3[%dma_start3A_842, %dma_start3A_843] : memref<8192x1024xf32, #tpu.memory_space<hbm>> -> memref<8192x1024xf32, #tpu.memory_space<hbm>>
      %dma_start3A_845 = tpu.memref_slice %arg7[%add3A_833] : memref<6x!tpu.dma_semaphore, #tpu.memory_space<semaphore_mem>> -> memref<1x!tpu.dma_semaphore, #tpu.memory_space<semaphore_mem>>
      %dma_start3A_846 = tpu.memref_squeeze %dma_start3A_845 : memref<1x!tpu.dma_semaphore, #tpu.memory_space<semaphore_mem>> -> memref<!tpu.dma_semaphore, #tpu.memory_space<semaphore_mem>>
      tpu.enqueue_indirect_dma source(%dma_start3A_844 : memref<8192x1024xf32, #tpu.memory_space<hbm>>) target(%dma_start3A_840 : memref<16x1024xf32, #tpu.memory_space<vmem>>) offsets(%dma_start3A_841 : memref<16xi32, #tpu.memory_space<vmem>>) semaphore(%dma_start3A_846 : memref<!tpu.dma_semaphore, #tpu.memory_space<semaphore_mem>>)
      %mul3A_847 = arith.constant 2 : i32
      %mul3A_848 = arith.muli %add3A_791, %mul3A_847 : i32
      %add3A_849 = arith.constant 1 : i32
      %add3A_850 = arith.addi %mul3A_848, %add3A_849 : i32
      %mul3A_851 = arith.constant 16 : i32
      %mul3A_852 = arith.muli %add3A_850, %mul3A_851 : i32
      %jit3A_853 = arith.constant 3 : i32
      %eq3A_854 = arith.constant 0 : i32
      %eq3A_855 = arith.cmpi eq, %jit3A_853, %eq3A_854 : i32
      %jit3A_856 = arith.constant 1 : i32
      %select_n3A_857 = arith.select %eq3A_855, %jit3A_856, %jit3A_853 : i32
      %rem3A_858 = arith.remsi %add3A_791, %select_n3A_857 : i32
      %ne3A_859 = arith.constant 0 : i32
      %ne3A_860 = arith.cmpi ne, %rem3A_858, %ne3A_859 : i32
      %lt3A_861 = arith.constant 0 : i32
      %lt3A_862 = arith.cmpi slt, %rem3A_858, %lt3A_861 : i32
      %lt3A_863 = arith.constant 0 : i32
      %lt3A_864 = arith.cmpi slt, %select_n3A_857, %lt3A_863 : i32
      %ne3A_865 = arith.xori %lt3A_862, %lt3A_864 : i1
      %and3A_866 = arith.andi %ne3A_865, %ne3A_860 : i1
      %add3A_867 = arith.addi %rem3A_858, %select_n3A_857 : i32
      %select_n3A_868 = arith.select %and3A_866, %add3A_867, %rem3A_858 : i32
      %jit3A_869 = arith.constant 3 : i32
      %eq3A_870 = arith.constant 0 : i32
      %eq3A_871 = arith.cmpi eq, %jit3A_869, %eq3A_870 : i32
      %jit3A_872 = arith.constant 1 : i32
      %select_n3A_873 = arith.select %eq3A_871, %jit3A_872, %jit3A_869 : i32
      %rem3A_874 = arith.remsi %add3A_791, %select_n3A_873 : i32
      %ne3A_875 = arith.constant 0 : i32
      %ne3A_876 = arith.cmpi ne, %rem3A_874, %ne3A_875 : i32
      %lt3A_877 = arith.constant 0 : i32
      %lt3A_878 = arith.cmpi slt, %rem3A_874, %lt3A_877 : i32
      %lt3A_879 = arith.constant 0 : i32
      %lt3A_880 = arith.cmpi slt, %select_n3A_873, %lt3A_879 : i32
      %ne3A_881 = arith.xori %lt3A_878, %lt3A_880 : i1
      %and3A_882 = arith.andi %ne3A_881, %ne3A_876 : i1
      %add3A_883 = arith.addi %rem3A_874, %select_n3A_873 : i32
      %select_n3A_884 = arith.select %and3A_882, %add3A_883, %rem3A_874 : i32
      %mul3A_885 = arith.constant 2 : i32
      %mul3A_886 = arith.muli %select_n3A_884, %mul3A_885 : i32
      %add3A_887 = arith.constant 1 : i32
      %add3A_888 = arith.addi %mul3A_886, %add3A_887 : i32
      %dma_start3A_889 = arith.constant 0 : i32
      %dma_start3A_890 = arith.constant 0 : i32
      %dma_start3A_891 = tpu.memref_slice %arg6[%select_n3A_868, %dma_start3A_889, %dma_start3A_890] : memref<3x32x1024xf32, #tpu.memory_space<vmem>> -> memref<1x32x1024xf32, #tpu.memory_space<vmem>>
      %dma_start3A_892 = tpu.memref_squeeze %dma_start3A_891 : memref<1x32x1024xf32, #tpu.memory_space<vmem>> -> memref<32x1024xf32, #tpu.memory_space<vmem>>
      %dma_start3A_893 = arith.constant 16 : i32
      %dma_start3A_894 = arith.constant 0 : i32
      %dma_start3A_895 = tpu.memref_slice %dma_start3A_892[%dma_start3A_893, %dma_start3A_894] : memref<32x1024xf32, #tpu.memory_space<vmem>> -> memref<16x1024xf32, #tpu.memory_space<vmem>>
      %dma_start3A_896 = tpu.memref_slice %arg5[%mul3A_852] : memref<1024xi32, #tpu.memory_space<vmem>> -> memref<16xi32, #tpu.memory_space<vmem>>
      %dma_start3A_897 = arith.constant 0 : i32
      %dma_start3A_898 = arith.constant 0 : i32
      %dma_start3A_899 = tpu.memref_slice %arg3[%dma_start3A_897, %dma_start3A_898] : memref<8192x1024xf32, #tpu.memory_space<hbm>> -> memref<8192x1024xf32, #tpu.memory_space<hbm>>
      %dma_start3A_900 = tpu.memref_slice %arg7[%add3A_888] : memref<6x!tpu.dma_semaphore, #tpu.memory_space<semaphore_mem>> -> memref<1x!tpu.dma_semaphore, #tpu.memory_space<semaphore_mem>>
      %dma_start3A_901 = tpu.memref_squeeze %dma_start3A_900 : memref<1x!tpu.dma_semaphore, #tpu.memory_space<semaphore_mem>> -> memref<!tpu.dma_semaphore, #tpu.memory_space<semaphore_mem>>
      tpu.enqueue_indirect_dma source(%dma_start3A_899 : memref<8192x1024xf32, #tpu.memory_space<hbm>>) target(%dma_start3A_895 : memref<16x1024xf32, #tpu.memory_space<vmem>>) offsets(%dma_start3A_896 : memref<16xi32, #tpu.memory_space<vmem>>) semaphore(%dma_start3A_901 : memref<!tpu.dma_semaphore, #tpu.memory_space<semaphore_mem>>)
      %mul3A_902 = arith.constant 3 : i32
      %mul3A_903 = arith.muli %mul3A_902, %scan3A_575 : i32
      %add3A_904 = arith.constant 2 : i32
      %add3A_905 = arith.addi %add3A_904, %mul3A_903 : i32
      %add3A_906 = arith.constant 1 : i32
      %add3A_907 = arith.addi %add3A_905, %add3A_906 : i32
      %jit3A_908 = arith.constant 3 : i32
      %eq3A_909 = arith.constant 0 : i32
      %eq3A_910 = arith.cmpi eq, %jit3A_908, %eq3A_909 : i32
      %jit3A_911 = arith.constant 1 : i32
      %select_n3A_912 = arith.select %eq3A_910, %jit3A_911, %jit3A_908 : i32
      %rem3A_913 = arith.remsi %add3A_907, %select_n3A_912 : i32
      %ne3A_914 = arith.constant 0 : i32
      %ne3A_915 = arith.cmpi ne, %rem3A_913, %ne3A_914 : i32
      %lt3A_916 = arith.constant 0 : i32
      %lt3A_917 = arith.cmpi slt, %rem3A_913, %lt3A_916 : i32
      %lt3A_918 = arith.constant 0 : i32
      %lt3A_919 = arith.cmpi slt, %select_n3A_912, %lt3A_918 : i32
      %ne3A_920 = arith.xori %lt3A_917, %lt3A_919 : i1
      %and3A_921 = arith.andi %ne3A_920, %ne3A_915 : i1
      %add3A_922 = arith.addi %rem3A_913, %select_n3A_912 : i32
      %select_n3A_923 = arith.select %and3A_921, %add3A_922, %rem3A_913 : i32
      %jit3A_924 = arith.constant 3 : i32
      %eq3A_925 = arith.constant 0 : i32
      %eq3A_926 = arith.cmpi eq, %jit3A_924, %eq3A_925 : i32
      %jit3A_927 = arith.constant 1 : i32
      %select_n3A_928 = arith.select %eq3A_926, %jit3A_927, %jit3A_924 : i32
      %rem3A_929 = arith.remsi %add3A_907, %select_n3A_928 : i32
      %ne3A_930 = arith.constant 0 : i32
      %ne3A_931 = arith.cmpi ne, %rem3A_929, %ne3A_930 : i32
      %lt3A_932 = arith.constant 0 : i32
      %lt3A_933 = arith.cmpi slt, %rem3A_929, %lt3A_932 : i32
      %lt3A_934 = arith.constant 0 : i32
      %lt3A_935 = arith.cmpi slt, %select_n3A_928, %lt3A_934 : i32
      %ne3A_936 = arith.xori %lt3A_933, %lt3A_935 : i1
      %and3A_937 = arith.andi %ne3A_936, %ne3A_931 : i1
      %add3A_938 = arith.addi %rem3A_929, %select_n3A_928 : i32
      %select_n3A_939 = arith.select %and3A_937, %add3A_938, %rem3A_929 : i32
      %mul3A_940 = arith.constant 2 : i32
      %mul3A_941 = arith.muli %select_n3A_939, %mul3A_940 : i32
      %add3A_942 = arith.constant 0 : i32
      %add3A_943 = arith.addi %mul3A_941, %add3A_942 : i32
      %dma_wait3A_944 = arith.constant 0 : i32
      %dma_wait3A_945 = arith.constant 0 : i32
      %dma_wait3A_946 = tpu.memref_slice %arg6[%select_n3A_923, %dma_wait3A_944, %dma_wait3A_945] : memref<3x32x1024xf32, #tpu.memory_space<vmem>> -> memref<1x32x1024xf32, #tpu.memory_space<vmem>>
      %dma_wait3A_947 = tpu.memref_squeeze %dma_wait3A_946 : memref<1x32x1024xf32, #tpu.memory_space<vmem>> -> memref<32x1024xf32, #tpu.memory_space<vmem>>
      %dma_wait3A_948 = arith.constant 0 : i32
      %dma_wait3A_949 = arith.constant 0 : i32
      %dma_wait3A_950 = tpu.memref_slice %dma_wait3A_947[%dma_wait3A_948, %dma_wait3A_949] : memref<32x1024xf32, #tpu.memory_space<vmem>> -> memref<16x1024xf32, #tpu.memory_space<vmem>>
      %dma_wait3A_951 = arith.constant 0 : i32
      %dma_wait3A_952 = arith.constant 0 : i32
      %dma_wait3A_953 = tpu.memref_slice %arg3[%dma_wait3A_951, %dma_wait3A_952] : memref<8192x1024xf32, #tpu.memory_space<hbm>> -> memref<16x1024xf32, #tpu.memory_space<hbm>>
      %dma_wait3A_954 = tpu.memref_slice %arg7[%add3A_943] : memref<6x!tpu.dma_semaphore, #tpu.memory_space<semaphore_mem>> -> memref<1x!tpu.dma_semaphore, #tpu.memory_space<semaphore_mem>>
      %dma_wait3A_955 = tpu.memref_squeeze %dma_wait3A_954 : memref<1x!tpu.dma_semaphore, #tpu.memory_space<semaphore_mem>> -> memref<!tpu.dma_semaphore, #tpu.memory_space<semaphore_mem>>
      %dma_wait3A_956 = arith.constant 0 : i32
      %dma_wait3A_957 = arith.constant 0 : i32
      %dma_wait3A_958 = tpu.memref_slice %arg6[%select_n3A_923, %dma_wait3A_956, %dma_wait3A_957] : memref<3x32x1024xf32, #tpu.memory_space<vmem>> -> memref<1x32x1024xf32, #tpu.memory_space<vmem>>
      %dma_wait3A_959 = tpu.memref_squeeze %dma_wait3A_958 : memref<1x32x1024xf32, #tpu.memory_space<vmem>> -> memref<32x1024xf32, #tpu.memory_space<vmem>>
      %dma_wait3A_960 = arith.constant 0 : i32
      %dma_wait3A_961 = arith.constant 0 : i32
      %dma_wait3A_962 = tpu.memref_slice %dma_wait3A_959[%dma_wait3A_960, %dma_wait3A_961] : memref<32x1024xf32, #tpu.memory_space<vmem>> -> memref<16x1024xf32, #tpu.memory_space<vmem>>
      %dma_wait3A_963 = arith.constant 0 : i32
      %dma_wait3A_964 = arith.constant 0 : i32
      %dma_wait3A_965 = tpu.memref_slice %arg3[%dma_wait3A_963, %dma_wait3A_964] : memref<8192x1024xf32, #tpu.memory_space<hbm>> -> memref<16x1024xf32, #tpu.memory_space<hbm>>
      tpu.wait_dma2 semaphore(%dma_wait3A_955 : memref<!tpu.dma_semaphore, #tpu.memory_space<semaphore_mem>>) src(%dma_wait3A_965 : memref<16x1024xf32, #tpu.memory_space<hbm>>) dst(%dma_wait3A_962 : memref<16x1024xf32, #tpu.memory_space<vmem>>)
      %jit3A_966 = arith.constant 3 : i32
      %eq3A_967 = arith.constant 0 : i32
      %eq3A_968 = arith.cmpi eq, %jit3A_966, %eq3A_967 : i32
      %jit3A_969 = arith.constant 1 : i32
      %select_n3A_970 = arith.select %eq3A_968, %jit3A_969, %jit3A_966 : i32
      %rem3A_971 = arith.remsi %add3A_907, %select_n3A_970 : i32
      %ne3A_972 = arith.constant 0 : i32
      %ne3A_973 = arith.cmpi ne, %rem3A_971, %ne3A_972 : i32
      %lt3A_974 = arith.constant 0 : i32
      %lt3A_975 = arith.cmpi slt, %rem3A_971, %lt3A_974 : i32
      %lt3A_976 = arith.constant 0 : i32
      %lt3A_977 = arith.cmpi slt, %select_n3A_970, %lt3A_976 : i32
      %ne3A_978 = arith.xori %lt3A_975, %lt3A_977 : i1
      %and3A_979 = arith.andi %ne3A_978, %ne3A_973 : i1
      %add3A_980 = arith.addi %rem3A_971, %select_n3A_970 : i32
      %select_n3A_981 = arith.select %and3A_979, %add3A_980, %rem3A_971 : i32
      %jit3A_982 = arith.constant 3 : i32
      %eq3A_983 = arith.constant 0 : i32
      %eq3A_984 = arith.cmpi eq, %jit3A_982, %eq3A_983 : i32
      %jit3A_985 = arith.constant 1 : i32
      %select_n3A_986 = arith.select %eq3A_984, %jit3A_985, %jit3A_982 : i32
      %rem3A_987 = arith.remsi %add3A_907, %select_n3A_986 : i32
      %ne3A_988 = arith.constant 0 : i32
      %ne3A_989 = arith.cmpi ne, %rem3A_987, %ne3A_988 : i32
      %lt3A_990 = arith.constant 0 : i32
      %lt3A_991 = arith.cmpi slt, %rem3A_987, %lt3A_990 : i32
      %lt3A_992 = arith.constant 0 : i32
      %lt3A_993 = arith.cmpi slt, %select_n3A_986, %lt3A_992 : i32
      %ne3A_994 = arith.xori %lt3A_991, %lt3A_993 : i1
      %and3A_995 = arith.andi %ne3A_994, %ne3A_989 : i1
      %add3A_996 = arith.addi %rem3A_987, %select_n3A_986 : i32
      %select_n3A_997 = arith.select %and3A_995, %add3A_996, %rem3A_987 : i32
      %mul3A_998 = arith.constant 2 : i32
      %mul3A_999 = arith.muli %select_n3A_997, %mul3A_998 : i32
      %add3A_1000 = arith.constant 1 : i32
      %add3A_1001 = arith.addi %mul3A_999, %add3A_1000 : i32
      %dma_wait3A_1002 = arith.constant 0 : i32
      %dma_wait3A_1003 = arith.constant 0 : i32
      %dma_wait3A_1004 = tpu.memref_slice %arg6[%select_n3A_981, %dma_wait3A_1002, %dma_wait3A_1003] : memref<3x32x1024xf32, #tpu.memory_space<vmem>> -> memref<1x32x1024xf32, #tpu.memory_space<vmem>>
      %dma_wait3A_1005 = tpu.memref_squeeze %dma_wait3A_1004 : memref<1x32x1024xf32, #tpu.memory_space<vmem>> -> memref<32x1024xf32, #tpu.memory_space<vmem>>
      %dma_wait3A_1006 = arith.constant 16 : i32
      %dma_wait3A_1007 = arith.constant 0 : i32
      %dma_wait3A_1008 = tpu.memref_slice %dma_wait3A_1005[%dma_wait3A_1006, %dma_wait3A_1007] : memref<32x1024xf32, #tpu.memory_space<vmem>> -> memref<16x1024xf32, #tpu.memory_space<vmem>>
      %dma_wait3A_1009 = arith.constant 0 : i32
      %dma_wait3A_1010 = arith.constant 0 : i32
      %dma_wait3A_1011 = tpu.memref_slice %arg3[%dma_wait3A_1009, %dma_wait3A_1010] : memref<8192x1024xf32, #tpu.memory_space<hbm>> -> memref<16x1024xf32, #tpu.memory_space<hbm>>
      %dma_wait3A_1012 = tpu.memref_slice %arg7[%add3A_1001] : memref<6x!tpu.dma_semaphore, #tpu.memory_space<semaphore_mem>> -> memref<1x!tpu.dma_semaphore, #tpu.memory_space<semaphore_mem>>
      %dma_wait3A_1013 = tpu.memref_squeeze %dma_wait3A_1012 : memref<1x!tpu.dma_semaphore, #tpu.memory_space<semaphore_mem>> -> memref<!tpu.dma_semaphore, #tpu.memory_space<semaphore_mem>>
      %dma_wait3A_1014 = arith.constant 0 : i32
      %dma_wait3A_1015 = arith.constant 0 : i32
      %dma_wait3A_1016 = tpu.memref_slice %arg6[%select_n3A_981, %dma_wait3A_1014, %dma_wait3A_1015] : memref<3x32x1024xf32, #tpu.memory_space<vmem>> -> memref<1x32x1024xf32, #tpu.memory_space<vmem>>
      %dma_wait3A_1017 = tpu.memref_squeeze %dma_wait3A_1016 : memref<1x32x1024xf32, #tpu.memory_space<vmem>> -> memref<32x1024xf32, #tpu.memory_space<vmem>>
      %dma_wait3A_1018 = arith.constant 16 : i32
      %dma_wait3A_1019 = arith.constant 0 : i32
      %dma_wait3A_1020 = tpu.memref_slice %dma_wait3A_1017[%dma_wait3A_1018, %dma_wait3A_1019] : memref<32x1024xf32, #tpu.memory_space<vmem>> -> memref<16x1024xf32, #tpu.memory_space<vmem>>
      %dma_wait3A_1021 = arith.constant 0 : i32
      %dma_wait3A_1022 = arith.constant 0 : i32
      %dma_wait3A_1023 = tpu.memref_slice %arg3[%dma_wait3A_1021, %dma_wait3A_1022] : memref<8192x1024xf32, #tpu.memory_space<hbm>> -> memref<16x1024xf32, #tpu.memory_space<hbm>>
      tpu.wait_dma2 semaphore(%dma_wait3A_1013 : memref<!tpu.dma_semaphore, #tpu.memory_space<semaphore_mem>>) src(%dma_wait3A_1023 : memref<16x1024xf32, #tpu.memory_space<hbm>>) dst(%dma_wait3A_1020 : memref<16x1024xf32, #tpu.memory_space<vmem>>)
      %jit3A_1024 = arith.constant 3 : i32
      %eq3A_1025 = arith.constant 0 : i32
      %eq3A_1026 = arith.cmpi eq, %jit3A_1024, %eq3A_1025 : i32
      %jit3A_1027 = arith.constant 1 : i32
      %select_n3A_1028 = arith.select %eq3A_1026, %jit3A_1027, %jit3A_1024 : i32
      %rem3A_1029 = arith.remsi %add3A_907, %select_n3A_1028 : i32
      %ne3A_1030 = arith.constant 0 : i32
      %ne3A_1031 = arith.cmpi ne, %rem3A_1029, %ne3A_1030 : i32
      %lt3A_1032 = arith.constant 0 : i32
      %lt3A_1033 = arith.cmpi slt, %rem3A_1029, %lt3A_1032 : i32
      %lt3A_1034 = arith.constant 0 : i32
      %lt3A_1035 = arith.cmpi slt, %select_n3A_1028, %lt3A_1034 : i32
      %ne3A_1036 = arith.xori %lt3A_1033, %lt3A_1035 : i1
      %and3A_1037 = arith.andi %ne3A_1036, %ne3A_1031 : i1
      %add3A_1038 = arith.addi %rem3A_1029, %select_n3A_1028 : i32
      %select_n3A_1039 = arith.select %and3A_1037, %add3A_1038, %rem3A_1029 : i32
      %mul3A_1040 = arith.constant 2 : i32
      %mul3A_1041 = arith.muli %add3A_907, %mul3A_1040 : i32
      %mul3A_1042 = arith.constant 16 : i32
      %mul3A_1043 = arith.muli %mul3A_1041, %mul3A_1042 : i32
      %add3A_1044 = arith.addi %mul3A_2, %mul3A_1043 : i32
      %jit3A_1045 = arith.constant 3 : i32
      %eq3A_1046 = arith.constant 0 : i32
      %eq3A_1047 = arith.cmpi eq, %jit3A_1045, %eq3A_1046 : i32
      %jit3A_1048 = arith.constant 1 : i32
      %select_n3A_1049 = arith.select %eq3A_1047, %jit3A_1048, %jit3A_1045 : i32
      %rem3A_1050 = arith.remsi %add3A_907, %select_n3A_1049 : i32
      %ne3A_1051 = arith.constant 0 : i32
      %ne3A_1052 = arith.cmpi ne, %rem3A_1050, %ne3A_1051 : i32
      %lt3A_1053 = arith.constant 0 : i32
      %lt3A_1054 = arith.cmpi slt, %rem3A_1050, %lt3A_1053 : i32
      %lt3A_1055 = arith.constant 0 : i32
      %lt3A_1056 = arith.cmpi slt, %select_n3A_1049, %lt3A_1055 : i32
      %ne3A_1057 = arith.xori %lt3A_1054, %lt3A_1056 : i1
      %and3A_1058 = arith.andi %ne3A_1057, %ne3A_1052 : i1
      %add3A_1059 = arith.addi %rem3A_1050, %select_n3A_1049 : i32
      %select_n3A_1060 = arith.select %and3A_1058, %add3A_1059, %rem3A_1050 : i32
      %dma_start3A_1061 = arith.constant 0 : i32
      %dma_start3A_1062 = arith.constant 0 : i32
      %dma_start3A_1063 = tpu.memref_slice %arg6[%select_n3A_1039, %dma_start3A_1061, %dma_start3A_1062] : memref<3x32x1024xf32, #tpu.memory_space<vmem>> -> memref<1x32x1024xf32, #tpu.memory_space<vmem>>
      %dma_start3A_1064 = tpu.memref_squeeze %dma_start3A_1063 : memref<1x32x1024xf32, #tpu.memory_space<vmem>> -> memref<32x1024xf32, #tpu.memory_space<vmem>>
      %dma_start3A_1065 = arith.constant 0 : i32
      %dma_start3A_1066 = tpu.memref_slice %arg4[%add3A_1044, %dma_start3A_1065] : memref<32768x1024xf32, #tpu.memory_space<hbm>> -> memref<32x1024xf32, #tpu.memory_space<hbm>>
      %dma_start3A_1067 = tpu.memref_slice %arg8[%select_n3A_1060] : memref<3x!tpu.dma_semaphore, #tpu.memory_space<semaphore_mem>> -> memref<1x!tpu.dma_semaphore, #tpu.memory_space<semaphore_mem>>
      %dma_start3A_1068 = tpu.memref_squeeze %dma_start3A_1067 : memref<1x!tpu.dma_semaphore, #tpu.memory_space<semaphore_mem>> -> memref<!tpu.dma_semaphore, #tpu.memory_space<semaphore_mem>>
      %dma_start3A_1069 = arith.constant 0 : i32
      %dma_start3A_1070 = tpu.memref_slice %arg4[%add3A_1044, %dma_start3A_1069] : memref<32768x1024xf32, #tpu.memory_space<hbm>> -> memref<32x1024xf32, #tpu.memory_space<hbm>>
      %dma_start3A_1071 = arith.constant 0 : i32
      %dma_start3A_1072 = arith.constant 0 : i32
      %dma_start3A_1073 = tpu.memref_slice %arg6[%select_n3A_1039, %dma_start3A_1071, %dma_start3A_1072] : memref<3x32x1024xf32, #tpu.memory_space<vmem>> -> memref<1x32x1024xf32, #tpu.memory_space<vmem>>
      %dma_start3A_1074 = tpu.memref_squeeze %dma_start3A_1073 : memref<1x32x1024xf32, #tpu.memory_space<vmem>> -> memref<32x1024xf32, #tpu.memory_space<vmem>>
      tpu.enqueue_dma source(%dma_start3A_1074 : memref<32x1024xf32, #tpu.memory_space<vmem>>) target(%dma_start3A_1070 : memref<32x1024xf32, #tpu.memory_space<hbm>>) target_semaphore(%dma_start3A_1068 : memref<!tpu.dma_semaphore, #tpu.memory_space<semaphore_mem>>)
      %add3A_1075 = arith.constant 2 : i32
      %add3A_1076 = arith.addi %add3A_907, %add3A_1075 : i32
      %jit3A_1077 = arith.constant 3 : i32
      %eq3A_1078 = arith.constant 0 : i32
      %eq3A_1079 = arith.cmpi eq, %jit3A_1077, %eq3A_1078 : i32
      %jit3A_1080 = arith.constant 1 : i32
      %select_n3A_1081 = arith.select %eq3A_1079, %jit3A_1080, %jit3A_1077 : i32
      %rem3A_1082 = arith.remsi %add3A_1076, %select_n3A_1081 : i32
      %ne3A_1083 = arith.constant 0 : i32
      %ne3A_1084 = arith.cmpi ne, %rem3A_1082, %ne3A_1083 : i32
      %lt3A_1085 = arith.constant 0 : i32
      %lt3A_1086 = arith.cmpi slt, %rem3A_1082, %lt3A_1085 : i32
      %lt3A_1087 = arith.constant 0 : i32
      %lt3A_1088 = arith.cmpi slt, %select_n3A_1081, %lt3A_1087 : i32
      %ne3A_1089 = arith.xori %lt3A_1086, %lt3A_1088 : i1
      %and3A_1090 = arith.andi %ne3A_1089, %ne3A_1084 : i1
      %add3A_1091 = arith.addi %rem3A_1082, %select_n3A_1081 : i32
      %select_n3A_1092 = arith.select %and3A_1090, %add3A_1091, %rem3A_1082 : i32
      %jit3A_1093 = arith.constant 3 : i32
      %eq3A_1094 = arith.constant 0 : i32
      %eq3A_1095 = arith.cmpi eq, %jit3A_1093, %eq3A_1094 : i32
      %jit3A_1096 = arith.constant 1 : i32
      %select_n3A_1097 = arith.select %eq3A_1095, %jit3A_1096, %jit3A_1093 : i32
      %rem3A_1098 = arith.remsi %add3A_1076, %select_n3A_1097 : i32
      %ne3A_1099 = arith.constant 0 : i32
      %ne3A_1100 = arith.cmpi ne, %rem3A_1098, %ne3A_1099 : i32
      %lt3A_1101 = arith.constant 0 : i32
      %lt3A_1102 = arith.cmpi slt, %rem3A_1098, %lt3A_1101 : i32
      %lt3A_1103 = arith.constant 0 : i32
      %lt3A_1104 = arith.cmpi slt, %select_n3A_1097, %lt3A_1103 : i32
      %ne3A_1105 = arith.xori %lt3A_1102, %lt3A_1104 : i1
      %and3A_1106 = arith.andi %ne3A_1105, %ne3A_1100 : i1
      %add3A_1107 = arith.addi %rem3A_1098, %select_n3A_1097 : i32
      %select_n3A_1108 = arith.select %and3A_1106, %add3A_1107, %rem3A_1098 : i32
      %dma_wait3A_1109 = arith.constant 0 : i32
      %dma_wait3A_1110 = arith.constant 0 : i32
      %dma_wait3A_1111 = tpu.memref_slice %arg6[%select_n3A_1092, %dma_wait3A_1109, %dma_wait3A_1110] : memref<3x32x1024xf32, #tpu.memory_space<vmem>> -> memref<1x32x1024xf32, #tpu.memory_space<vmem>>
      %dma_wait3A_1112 = tpu.memref_squeeze %dma_wait3A_1111 : memref<1x32x1024xf32, #tpu.memory_space<vmem>> -> memref<32x1024xf32, #tpu.memory_space<vmem>>
      %dma_wait3A_1113 = arith.constant 0 : i32
      %dma_wait3A_1114 = tpu.memref_slice %arg4[%mul3A_2, %dma_wait3A_1113] : memref<32768x1024xf32, #tpu.memory_space<hbm>> -> memref<32x1024xf32, #tpu.memory_space<hbm>>
      %dma_wait3A_1115 = tpu.memref_slice %arg8[%select_n3A_1108] : memref<3x!tpu.dma_semaphore, #tpu.memory_space<semaphore_mem>> -> memref<1x!tpu.dma_semaphore, #tpu.memory_space<semaphore_mem>>
      %dma_wait3A_1116 = tpu.memref_squeeze %dma_wait3A_1115 : memref<1x!tpu.dma_semaphore, #tpu.memory_space<semaphore_mem>> -> memref<!tpu.dma_semaphore, #tpu.memory_space<semaphore_mem>>
      %dma_wait3A_1117 = arith.constant 0 : i32
      %dma_wait3A_1118 = tpu.memref_slice %arg4[%mul3A_2, %dma_wait3A_1117] : memref<32768x1024xf32, #tpu.memory_space<hbm>> -> memref<32x1024xf32, #tpu.memory_space<hbm>>
      %dma_wait3A_1119 = arith.constant 0 : i32
      %dma_wait3A_1120 = arith.constant 0 : i32
      %dma_wait3A_1121 = tpu.memref_slice %arg6[%select_n3A_1092, %dma_wait3A_1119, %dma_wait3A_1120] : memref<3x32x1024xf32, #tpu.memory_space<vmem>> -> memref<1x32x1024xf32, #tpu.memory_space<vmem>>
      %dma_wait3A_1122 = tpu.memref_squeeze %dma_wait3A_1121 : memref<1x32x1024xf32, #tpu.memory_space<vmem>> -> memref<32x1024xf32, #tpu.memory_space<vmem>>
      tpu.wait_dma2 semaphore(%dma_wait3A_1116 : memref<!tpu.dma_semaphore, #tpu.memory_space<semaphore_mem>>) src(%dma_wait3A_1122 : memref<32x1024xf32, #tpu.memory_space<vmem>>) dst(%dma_wait3A_1118 : memref<32x1024xf32, #tpu.memory_space<hbm>>)
      %add3A_1123 = arith.constant 2 : i32
      %add3A_1124 = arith.addi %add3A_907, %add3A_1123 : i32
      %mul3A_1125 = arith.constant 2 : i32
      %mul3A_1126 = arith.muli %add3A_1124, %mul3A_1125 : i32
      %add3A_1127 = arith.constant 0 : i32
      %add3A_1128 = arith.addi %mul3A_1126, %add3A_1127 : i32
      %mul3A_1129 = arith.constant 16 : i32
      %mul3A_1130 = arith.muli %add3A_1128, %mul3A_1129 : i32
      %jit3A_1131 = arith.constant 3 : i32
      %eq3A_1132 = arith.constant 0 : i32
      %eq3A_1133 = arith.cmpi eq, %jit3A_1131, %eq3A_1132 : i32
      %jit3A_1134 = arith.constant 1 : i32
      %select_n3A_1135 = arith.select %eq3A_1133, %jit3A_1134, %jit3A_1131 : i32
      %rem3A_1136 = arith.remsi %add3A_1124, %select_n3A_1135 : i32
      %ne3A_1137 = arith.constant 0 : i32
      %ne3A_1138 = arith.cmpi ne, %rem3A_1136, %ne3A_1137 : i32
      %lt3A_1139 = arith.constant 0 : i32
      %lt3A_1140 = arith.cmpi slt, %rem3A_1136, %lt3A_1139 : i32
      %lt3A_1141 = arith.constant 0 : i32
      %lt3A_1142 = arith.cmpi slt, %select_n3A_1135, %lt3A_1141 : i32
      %ne3A_1143 = arith.xori %lt3A_1140, %lt3A_1142 : i1
      %and3A_1144 = arith.andi %ne3A_1143, %ne3A_1138 : i1
      %add3A_1145 = arith.addi %rem3A_1136, %select_n3A_1135 : i32
      %select_n3A_1146 = arith.select %and3A_1144, %add3A_1145, %rem3A_1136 : i32
      %jit3A_1147 = arith.constant 3 : i32
      %eq3A_1148 = arith.constant 0 : i32
      %eq3A_1149 = arith.cmpi eq, %jit3A_1147, %eq3A_1148 : i32
      %jit3A_1150 = arith.constant 1 : i32
      %select_n3A_1151 = arith.select %eq3A_1149, %jit3A_1150, %jit3A_1147 : i32
      %rem3A_1152 = arith.remsi %add3A_1124, %select_n3A_1151 : i32
      %ne3A_1153 = arith.constant 0 : i32
      %ne3A_1154 = arith.cmpi ne, %rem3A_1152, %ne3A_1153 : i32
      %lt3A_1155 = arith.constant 0 : i32
      %lt3A_1156 = arith.cmpi slt, %rem3A_1152, %lt3A_1155 : i32
      %lt3A_1157 = arith.constant 0 : i32
      %lt3A_1158 = arith.cmpi slt, %select_n3A_1151, %lt3A_1157 : i32
      %ne3A_1159 = arith.xori %lt3A_1156, %lt3A_1158 : i1
      %and3A_1160 = arith.andi %ne3A_1159, %ne3A_1154 : i1
      %add3A_1161 = arith.addi %rem3A_1152, %select_n3A_1151 : i32
      %select_n3A_1162 = arith.select %and3A_1160, %add3A_1161, %rem3A_1152 : i32
      %mul3A_1163 = arith.constant 2 : i32
      %mul3A_1164 = arith.muli %select_n3A_1162, %mul3A_1163 : i32
      %add3A_1165 = arith.constant 0 : i32
      %add3A_1166 = arith.addi %mul3A_1164, %add3A_1165 : i32
      %dma_start3A_1167 = arith.constant 0 : i32
      %dma_start3A_1168 = arith.constant 0 : i32
      %dma_start3A_1169 = tpu.memref_slice %arg6[%select_n3A_1146, %dma_start3A_1167, %dma_start3A_1168] : memref<3x32x1024xf32, #tpu.memory_space<vmem>> -> memref<1x32x1024xf32, #tpu.memory_space<vmem>>
      %dma_start3A_1170 = tpu.memref_squeeze %dma_start3A_1169 : memref<1x32x1024xf32, #tpu.memory_space<vmem>> -> memref<32x1024xf32, #tpu.memory_space<vmem>>
      %dma_start3A_1171 = arith.constant 0 : i32
      %dma_start3A_1172 = arith.constant 0 : i32
      %dma_start3A_1173 = tpu.memref_slice %dma_start3A_1170[%dma_start3A_1171, %dma_start3A_1172] : memref<32x1024xf32, #tpu.memory_space<vmem>> -> memref<16x1024xf32, #tpu.memory_space<vmem>>
      %dma_start3A_1174 = tpu.memref_slice %arg5[%mul3A_1130] : memref<1024xi32, #tpu.memory_space<vmem>> -> memref<16xi32, #tpu.memory_space<vmem>>
      %dma_start3A_1175 = arith.constant 0 : i32
      %dma_start3A_1176 = arith.constant 0 : i32
      %dma_start3A_1177 = tpu.memref_slice %arg3[%dma_start3A_1175, %dma_start3A_1176] : memref<8192x1024xf32, #tpu.memory_space<hbm>> -> memref<8192x1024xf32, #tpu.memory_space<hbm>>
      %dma_start3A_1178 = tpu.memref_slice %arg7[%add3A_1166] : memref<6x!tpu.dma_semaphore, #tpu.memory_space<semaphore_mem>> -> memref<1x!tpu.dma_semaphore, #tpu.memory_space<semaphore_mem>>
      %dma_start3A_1179 = tpu.memref_squeeze %dma_start3A_1178 : memref<1x!tpu.dma_semaphore, #tpu.memory_space<semaphore_mem>> -> memref<!tpu.dma_semaphore, #tpu.memory_space<semaphore_mem>>
      tpu.enqueue_indirect_dma source(%dma_start3A_1177 : memref<8192x1024xf32, #tpu.memory_space<hbm>>) target(%dma_start3A_1173 : memref<16x1024xf32, #tpu.memory_space<vmem>>) offsets(%dma_start3A_1174 : memref<16xi32, #tpu.memory_space<vmem>>) semaphore(%dma_start3A_1179 : memref<!tpu.dma_semaphore, #tpu.memory_space<semaphore_mem>>)
      %mul3A_1180 = arith.constant 2 : i32
      %mul3A_1181 = arith.muli %add3A_1124, %mul3A_1180 : i32
      %add3A_1182 = arith.constant 1 : i32
      %add3A_1183 = arith.addi %mul3A_1181, %add3A_1182 : i32
      %mul3A_1184 = arith.constant 16 : i32
      %mul3A_1185 = arith.muli %add3A_1183, %mul3A_1184 : i32
      %jit3A_1186 = arith.constant 3 : i32
      %eq3A_1187 = arith.constant 0 : i32
      %eq3A_1188 = arith.cmpi eq, %jit3A_1186, %eq3A_1187 : i32
      %jit3A_1189 = arith.constant 1 : i32
      %select_n3A_1190 = arith.select %eq3A_1188, %jit3A_1189, %jit3A_1186 : i32
      %rem3A_1191 = arith.remsi %add3A_1124, %select_n3A_1190 : i32
      %ne3A_1192 = arith.constant 0 : i32
      %ne3A_1193 = arith.cmpi ne, %rem3A_1191, %ne3A_1192 : i32
      %lt3A_1194 = arith.constant 0 : i32
      %lt3A_1195 = arith.cmpi slt, %rem3A_1191, %lt3A_1194 : i32
      %lt3A_1196 = arith.constant 0 : i32
      %lt3A_1197 = arith.cmpi slt, %select_n3A_1190, %lt3A_1196 : i32
      %ne3A_1198 = arith.xori %lt3A_1195, %lt3A_1197 : i1
      %and3A_1199 = arith.andi %ne3A_1198, %ne3A_1193 : i1
      %add3A_1200 = arith.addi %rem3A_1191, %select_n3A_1190 : i32
      %select_n3A_1201 = arith.select %and3A_1199, %add3A_1200, %rem3A_1191 : i32
      %jit3A_1202 = arith.constant 3 : i32
      %eq3A_1203 = arith.constant 0 : i32
      %eq3A_1204 = arith.cmpi eq, %jit3A_1202, %eq3A_1203 : i32
      %jit3A_1205 = arith.constant 1 : i32
      %select_n3A_1206 = arith.select %eq3A_1204, %jit3A_1205, %jit3A_1202 : i32
      %rem3A_1207 = arith.remsi %add3A_1124, %select_n3A_1206 : i32
      %ne3A_1208 = arith.constant 0 : i32
      %ne3A_1209 = arith.cmpi ne, %rem3A_1207, %ne3A_1208 : i32
      %lt3A_1210 = arith.constant 0 : i32
      %lt3A_1211 = arith.cmpi slt, %rem3A_1207, %lt3A_1210 : i32
      %lt3A_1212 = arith.constant 0 : i32
      %lt3A_1213 = arith.cmpi slt, %select_n3A_1206, %lt3A_1212 : i32
      %ne3A_1214 = arith.xori %lt3A_1211, %lt3A_1213 : i1
      %and3A_1215 = arith.andi %ne3A_1214, %ne3A_1209 : i1
      %add3A_1216 = arith.addi %rem3A_1207, %select_n3A_1206 : i32
      %select_n3A_1217 = arith.select %and3A_1215, %add3A_1216, %rem3A_1207 : i32
      %mul3A_1218 = arith.constant 2 : i32
      %mul3A_1219 = arith.muli %select_n3A_1217, %mul3A_1218 : i32
      %add3A_1220 = arith.constant 1 : i32
      %add3A_1221 = arith.addi %mul3A_1219, %add3A_1220 : i32
      %dma_start3A_1222 = arith.constant 0 : i32
      %dma_start3A_1223 = arith.constant 0 : i32
      %dma_start3A_1224 = tpu.memref_slice %arg6[%select_n3A_1201, %dma_start3A_1222, %dma_start3A_1223] : memref<3x32x1024xf32, #tpu.memory_space<vmem>> -> memref<1x32x1024xf32, #tpu.memory_space<vmem>>
      %dma_start3A_1225 = tpu.memref_squeeze %dma_start3A_1224 : memref<1x32x1024xf32, #tpu.memory_space<vmem>> -> memref<32x1024xf32, #tpu.memory_space<vmem>>
      %dma_start3A_1226 = arith.constant 16 : i32
      %dma_start3A_1227 = arith.constant 0 : i32
      %dma_start3A_1228 = tpu.memref_slice %dma_start3A_1225[%dma_start3A_1226, %dma_start3A_1227] : memref<32x1024xf32, #tpu.memory_space<vmem>> -> memref<16x1024xf32, #tpu.memory_space<vmem>>
      %dma_start3A_1229 = tpu.memref_slice %arg5[%mul3A_1185] : memref<1024xi32, #tpu.memory_space<vmem>> -> memref<16xi32, #tpu.memory_space<vmem>>
      %dma_start3A_1230 = arith.constant 0 : i32
      %dma_start3A_1231 = arith.constant 0 : i32
      %dma_start3A_1232 = tpu.memref_slice %arg3[%dma_start3A_1230, %dma_start3A_1231] : memref<8192x1024xf32, #tpu.memory_space<hbm>> -> memref<8192x1024xf32, #tpu.memory_space<hbm>>
      %dma_start3A_1233 = tpu.memref_slice %arg7[%add3A_1221] : memref<6x!tpu.dma_semaphore, #tpu.memory_space<semaphore_mem>> -> memref<1x!tpu.dma_semaphore, #tpu.memory_space<semaphore_mem>>
      %dma_start3A_1234 = tpu.memref_squeeze %dma_start3A_1233 : memref<1x!tpu.dma_semaphore, #tpu.memory_space<semaphore_mem>> -> memref<!tpu.dma_semaphore, #tpu.memory_space<semaphore_mem>>
      tpu.enqueue_indirect_dma source(%dma_start3A_1232 : memref<8192x1024xf32, #tpu.memory_space<hbm>>) target(%dma_start3A_1228 : memref<16x1024xf32, #tpu.memory_space<vmem>>) offsets(%dma_start3A_1229 : memref<16xi32, #tpu.memory_space<vmem>>) semaphore(%dma_start3A_1234 : memref<!tpu.dma_semaphore, #tpu.memory_space<semaphore_mem>>)
      %mul3A_1235 = arith.constant 3 : i32
      %mul3A_1236 = arith.muli %mul3A_1235, %scan3A_575 : i32
      %add3A_1237 = arith.constant 2 : i32
      %add3A_1238 = arith.addi %add3A_1237, %mul3A_1236 : i32
      %add3A_1239 = arith.constant 2 : i32
      %add3A_1240 = arith.addi %add3A_1238, %add3A_1239 : i32
      %jit3A_1241 = arith.constant 3 : i32
      %eq3A_1242 = arith.constant 0 : i32
      %eq3A_1243 = arith.cmpi eq, %jit3A_1241, %eq3A_1242 : i32
      %jit3A_1244 = arith.constant 1 : i32
      %select_n3A_1245 = arith.select %eq3A_1243, %jit3A_1244, %jit3A_1241 : i32
      %rem3A_1246 = arith.remsi %add3A_1240, %select_n3A_1245 : i32
      %ne3A_1247 = arith.constant 0 : i32
      %ne3A_1248 = arith.cmpi ne, %rem3A_1246, %ne3A_1247 : i32
      %lt3A_1249 = arith.constant 0 : i32
      %lt3A_1250 = arith.cmpi slt, %rem3A_1246, %lt3A_1249 : i32
      %lt3A_1251 = arith.constant 0 : i32
      %lt3A_1252 = arith.cmpi slt, %select_n3A_1245, %lt3A_1251 : i32
      %ne3A_1253 = arith.xori %lt3A_1250, %lt3A_1252 : i1
      %and3A_1254 = arith.andi %ne3A_1253, %ne3A_1248 : i1
      %add3A_1255 = arith.addi %rem3A_1246, %select_n3A_1245 : i32
      %select_n3A_1256 = arith.select %and3A_1254, %add3A_1255, %rem3A_1246 : i32
      %jit3A_1257 = arith.constant 3 : i32
      %eq3A_1258 = arith.constant 0 : i32
      %eq3A_1259 = arith.cmpi eq, %jit3A_1257, %eq3A_1258 : i32
      %jit3A_1260 = arith.constant 1 : i32
      %select_n3A_1261 = arith.select %eq3A_1259, %jit3A_1260, %jit3A_1257 : i32
      %rem3A_1262 = arith.remsi %add3A_1240, %select_n3A_1261 : i32
      %ne3A_1263 = arith.constant 0 : i32
      %ne3A_1264 = arith.cmpi ne, %rem3A_1262, %ne3A_1263 : i32
      %lt3A_1265 = arith.constant 0 : i32
      %lt3A_1266 = arith.cmpi slt, %rem3A_1262, %lt3A_1265 : i32
      %lt3A_1267 = arith.constant 0 : i32
      %lt3A_1268 = arith.cmpi slt, %select_n3A_1261, %lt3A_1267 : i32
      %ne3A_1269 = arith.xori %lt3A_1266, %lt3A_1268 : i1
      %and3A_1270 = arith.andi %ne3A_1269, %ne3A_1264 : i1
      %add3A_1271 = arith.addi %rem3A_1262, %select_n3A_1261 : i32
      %select_n3A_1272 = arith.select %and3A_1270, %add3A_1271, %rem3A_1262 : i32
      %mul3A_1273 = arith.constant 2 : i32
      %mul3A_1274 = arith.muli %select_n3A_1272, %mul3A_1273 : i32
      %add3A_1275 = arith.constant 0 : i32
      %add3A_1276 = arith.addi %mul3A_1274, %add3A_1275 : i32
      %dma_wait3A_1277 = arith.constant 0 : i32
      %dma_wait3A_1278 = arith.constant 0 : i32
      %dma_wait3A_1279 = tpu.memref_slice %arg6[%select_n3A_1256, %dma_wait3A_1277, %dma_wait3A_1278] : memref<3x32x1024xf32, #tpu.memory_space<vmem>> -> memref<1x32x1024xf32, #tpu.memory_space<vmem>>
      %dma_wait3A_1280 = tpu.memref_squeeze %dma_wait3A_1279 : memref<1x32x1024xf32, #tpu.memory_space<vmem>> -> memref<32x1024xf32, #tpu.memory_space<vmem>>
      %dma_wait3A_1281 = arith.constant 0 : i32
      %dma_wait3A_1282 = arith.constant 0 : i32
      %dma_wait3A_1283 = tpu.memref_slice %dma_wait3A_1280[%dma_wait3A_1281, %dma_wait3A_1282] : memref<32x1024xf32, #tpu.memory_space<vmem>> -> memref<16x1024xf32, #tpu.memory_space<vmem>>
      %dma_wait3A_1284 = arith.constant 0 : i32
      %dma_wait3A_1285 = arith.constant 0 : i32
      %dma_wait3A_1286 = tpu.memref_slice %arg3[%dma_wait3A_1284, %dma_wait3A_1285] : memref<8192x1024xf32, #tpu.memory_space<hbm>> -> memref<16x1024xf32, #tpu.memory_space<hbm>>
      %dma_wait3A_1287 = tpu.memref_slice %arg7[%add3A_1276] : memref<6x!tpu.dma_semaphore, #tpu.memory_space<semaphore_mem>> -> memref<1x!tpu.dma_semaphore, #tpu.memory_space<semaphore_mem>>
      %dma_wait3A_1288 = tpu.memref_squeeze %dma_wait3A_1287 : memref<1x!tpu.dma_semaphore, #tpu.memory_space<semaphore_mem>> -> memref<!tpu.dma_semaphore, #tpu.memory_space<semaphore_mem>>
      %dma_wait3A_1289 = arith.constant 0 : i32
      %dma_wait3A_1290 = arith.constant 0 : i32
      %dma_wait3A_1291 = tpu.memref_slice %arg6[%select_n3A_1256, %dma_wait3A_1289, %dma_wait3A_1290] : memref<3x32x1024xf32, #tpu.memory_space<vmem>> -> memref<1x32x1024xf32, #tpu.memory_space<vmem>>
      %dma_wait3A_1292 = tpu.memref_squeeze %dma_wait3A_1291 : memref<1x32x1024xf32, #tpu.memory_space<vmem>> -> memref<32x1024xf32, #tpu.memory_space<vmem>>
      %dma_wait3A_1293 = arith.constant 0 : i32
      %dma_wait3A_1294 = arith.constant 0 : i32
      %dma_wait3A_1295 = tpu.memref_slice %dma_wait3A_1292[%dma_wait3A_1293, %dma_wait3A_1294] : memref<32x1024xf32, #tpu.memory_space<vmem>> -> memref<16x1024xf32, #tpu.memory_space<vmem>>
      %dma_wait3A_1296 = arith.constant 0 : i32
      %dma_wait3A_1297 = arith.constant 0 : i32
      %dma_wait3A_1298 = tpu.memref_slice %arg3[%dma_wait3A_1296, %dma_wait3A_1297] : memref<8192x1024xf32, #tpu.memory_space<hbm>> -> memref<16x1024xf32, #tpu.memory_space<hbm>>
      tpu.wait_dma2 semaphore(%dma_wait3A_1288 : memref<!tpu.dma_semaphore, #tpu.memory_space<semaphore_mem>>) src(%dma_wait3A_1298 : memref<16x1024xf32, #tpu.memory_space<hbm>>) dst(%dma_wait3A_1295 : memref<16x1024xf32, #tpu.memory_space<vmem>>)
      %jit3A_1299 = arith.constant 3 : i32
      %eq3A_1300 = arith.constant 0 : i32
      %eq3A_1301 = arith.cmpi eq, %jit3A_1299, %eq3A_1300 : i32
      %jit3A_1302 = arith.constant 1 : i32
      %select_n3A_1303 = arith.select %eq3A_1301, %jit3A_1302, %jit3A_1299 : i32
      %rem3A_1304 = arith.remsi %add3A_1240, %select_n3A_1303 : i32
      %ne3A_1305 = arith.constant 0 : i32
      %ne3A_1306 = arith.cmpi ne, %rem3A_1304, %ne3A_1305 : i32
      %lt3A_1307 = arith.constant 0 : i32
      %lt3A_1308 = arith.cmpi slt, %rem3A_1304, %lt3A_1307 : i32
      %lt3A_1309 = arith.constant 0 : i32
      %lt3A_1310 = arith.cmpi slt, %select_n3A_1303, %lt3A_1309 : i32
      %ne3A_1311 = arith.xori %lt3A_1308, %lt3A_1310 : i1
      %and3A_1312 = arith.andi %ne3A_1311, %ne3A_1306 : i1
      %add3A_1313 = arith.addi %rem3A_1304, %select_n3A_1303 : i32
      %select_n3A_1314 = arith.select %and3A_1312, %add3A_1313, %rem3A_1304 : i32
      %jit3A_1315 = arith.constant 3 : i32
      %eq3A_1316 = arith.constant 0 : i32
      %eq3A_1317 = arith.cmpi eq, %jit3A_1315, %eq3A_1316 : i32
      %jit3A_1318 = arith.constant 1 : i32
      %select_n3A_1319 = arith.select %eq3A_1317, %jit3A_1318, %jit3A_1315 : i32
      %rem3A_1320 = arith.remsi %add3A_1240, %select_n3A_1319 : i32
      %ne3A_1321 = arith.constant 0 : i32
      %ne3A_1322 = arith.cmpi ne, %rem3A_1320, %ne3A_1321 : i32
      %lt3A_1323 = arith.constant 0 : i32
      %lt3A_1324 = arith.cmpi slt, %rem3A_1320, %lt3A_1323 : i32
      %lt3A_1325 = arith.constant 0 : i32
      %lt3A_1326 = arith.cmpi slt, %select_n3A_1319, %lt3A_1325 : i32
      %ne3A_1327 = arith.xori %lt3A_1324, %lt3A_1326 : i1
      %and3A_1328 = arith.andi %ne3A_1327, %ne3A_1322 : i1
      %add3A_1329 = arith.addi %rem3A_1320, %select_n3A_1319 : i32
      %select_n3A_1330 = arith.select %and3A_1328, %add3A_1329, %rem3A_1320 : i32
      %mul3A_1331 = arith.constant 2 : i32
      %mul3A_1332 = arith.muli %select_n3A_1330, %mul3A_1331 : i32
      %add3A_1333 = arith.constant 1 : i32
      %add3A_1334 = arith.addi %mul3A_1332, %add3A_1333 : i32
      %dma_wait3A_1335 = arith.constant 0 : i32
      %dma_wait3A_1336 = arith.constant 0 : i32
      %dma_wait3A_1337 = tpu.memref_slice %arg6[%select_n3A_1314, %dma_wait3A_1335, %dma_wait3A_1336] : memref<3x32x1024xf32, #tpu.memory_space<vmem>> -> memref<1x32x1024xf32, #tpu.memory_space<vmem>>
      %dma_wait3A_1338 = tpu.memref_squeeze %dma_wait3A_1337 : memref<1x32x1024xf32, #tpu.memory_space<vmem>> -> memref<32x1024xf32, #tpu.memory_space<vmem>>
      %dma_wait3A_1339 = arith.constant 16 : i32
      %dma_wait3A_1340 = arith.constant 0 : i32
      %dma_wait3A_1341 = tpu.memref_slice %dma_wait3A_1338[%dma_wait3A_1339, %dma_wait3A_1340] : memref<32x1024xf32, #tpu.memory_space<vmem>> -> memref<16x1024xf32, #tpu.memory_space<vmem>>
      %dma_wait3A_1342 = arith.constant 0 : i32
      %dma_wait3A_1343 = arith.constant 0 : i32
      %dma_wait3A_1344 = tpu.memref_slice %arg3[%dma_wait3A_1342, %dma_wait3A_1343] : memref<8192x1024xf32, #tpu.memory_space<hbm>> -> memref<16x1024xf32, #tpu.memory_space<hbm>>
      %dma_wait3A_1345 = tpu.memref_slice %arg7[%add3A_1334] : memref<6x!tpu.dma_semaphore, #tpu.memory_space<semaphore_mem>> -> memref<1x!tpu.dma_semaphore, #tpu.memory_space<semaphore_mem>>
      %dma_wait3A_1346 = tpu.memref_squeeze %dma_wait3A_1345 : memref<1x!tpu.dma_semaphore, #tpu.memory_space<semaphore_mem>> -> memref<!tpu.dma_semaphore, #tpu.memory_space<semaphore_mem>>
      %dma_wait3A_1347 = arith.constant 0 : i32
      %dma_wait3A_1348 = arith.constant 0 : i32
      %dma_wait3A_1349 = tpu.memref_slice %arg6[%select_n3A_1314, %dma_wait3A_1347, %dma_wait3A_1348] : memref<3x32x1024xf32, #tpu.memory_space<vmem>> -> memref<1x32x1024xf32, #tpu.memory_space<vmem>>
      %dma_wait3A_1350 = tpu.memref_squeeze %dma_wait3A_1349 : memref<1x32x1024xf32, #tpu.memory_space<vmem>> -> memref<32x1024xf32, #tpu.memory_space<vmem>>
      %dma_wait3A_1351 = arith.constant 16 : i32
      %dma_wait3A_1352 = arith.constant 0 : i32
      %dma_wait3A_1353 = tpu.memref_slice %dma_wait3A_1350[%dma_wait3A_1351, %dma_wait3A_1352] : memref<32x1024xf32, #tpu.memory_space<vmem>> -> memref<16x1024xf32, #tpu.memory_space<vmem>>
      %dma_wait3A_1354 = arith.constant 0 : i32
      %dma_wait3A_1355 = arith.constant 0 : i32
      %dma_wait3A_1356 = tpu.memref_slice %arg3[%dma_wait3A_1354, %dma_wait3A_1355] : memref<8192x1024xf32, #tpu.memory_space<hbm>> -> memref<16x1024xf32, #tpu.memory_space<hbm>>
      tpu.wait_dma2 semaphore(%dma_wait3A_1346 : memref<!tpu.dma_semaphore, #tpu.memory_space<semaphore_mem>>) src(%dma_wait3A_1356 : memref<16x1024xf32, #tpu.memory_space<hbm>>) dst(%dma_wait3A_1353 : memref<16x1024xf32, #tpu.memory_space<vmem>>)
      %jit3A_1357 = arith.constant 3 : i32
      %eq3A_1358 = arith.constant 0 : i32
      %eq3A_1359 = arith.cmpi eq, %jit3A_1357, %eq3A_1358 : i32
      %jit3A_1360 = arith.constant 1 : i32
      %select_n3A_1361 = arith.select %eq3A_1359, %jit3A_1360, %jit3A_1357 : i32
      %rem3A_1362 = arith.remsi %add3A_1240, %select_n3A_1361 : i32
      %ne3A_1363 = arith.constant 0 : i32
      %ne3A_1364 = arith.cmpi ne, %rem3A_1362, %ne3A_1363 : i32
      %lt3A_1365 = arith.constant 0 : i32
      %lt3A_1366 = arith.cmpi slt, %rem3A_1362, %lt3A_1365 : i32
      %lt3A_1367 = arith.constant 0 : i32
      %lt3A_1368 = arith.cmpi slt, %select_n3A_1361, %lt3A_1367 : i32
      %ne3A_1369 = arith.xori %lt3A_1366, %lt3A_1368 : i1
      %and3A_1370 = arith.andi %ne3A_1369, %ne3A_1364 : i1
      %add3A_1371 = arith.addi %rem3A_1362, %select_n3A_1361 : i32
      %select_n3A_1372 = arith.select %and3A_1370, %add3A_1371, %rem3A_1362 : i32
      %mul3A_1373 = arith.constant 2 : i32
      %mul3A_1374 = arith.muli %add3A_1240, %mul3A_1373 : i32
      %mul3A_1375 = arith.constant 16 : i32
      %mul3A_1376 = arith.muli %mul3A_1374, %mul3A_1375 : i32
      %add3A_1377 = arith.addi %mul3A_2, %mul3A_1376 : i32
      %jit3A_1378 = arith.constant 3 : i32
      %eq3A_1379 = arith.constant 0 : i32
      %eq3A_1380 = arith.cmpi eq, %jit3A_1378, %eq3A_1379 : i32
      %jit3A_1381 = arith.constant 1 : i32
      %select_n3A_1382 = arith.select %eq3A_1380, %jit3A_1381, %jit3A_1378 : i32
      %rem3A_1383 = arith.remsi %add3A_1240, %select_n3A_1382 : i32
      %ne3A_1384 = arith.constant 0 : i32
      %ne3A_1385 = arith.cmpi ne, %rem3A_1383, %ne3A_1384 : i32
      %lt3A_1386 = arith.constant 0 : i32
      %lt3A_1387 = arith.cmpi slt, %rem3A_1383, %lt3A_1386 : i32
      %lt3A_1388 = arith.constant 0 : i32
      %lt3A_1389 = arith.cmpi slt, %select_n3A_1382, %lt3A_1388 : i32
      %ne3A_1390 = arith.xori %lt3A_1387, %lt3A_1389 : i1
      %and3A_1391 = arith.andi %ne3A_1390, %ne3A_1385 : i1
      %add3A_1392 = arith.addi %rem3A_1383, %select_n3A_1382 : i32
      %select_n3A_1393 = arith.select %and3A_1391, %add3A_1392, %rem3A_1383 : i32
      %dma_start3A_1394 = arith.constant 0 : i32
      %dma_start3A_1395 = arith.constant 0 : i32
      %dma_start3A_1396 = tpu.memref_slice %arg6[%select_n3A_1372, %dma_start3A_1394, %dma_start3A_1395] : memref<3x32x1024xf32, #tpu.memory_space<vmem>> -> memref<1x32x1024xf32, #tpu.memory_space<vmem>>
      %dma_start3A_1397 = tpu.memref_squeeze %dma_start3A_1396 : memref<1x32x1024xf32, #tpu.memory_space<vmem>> -> memref<32x1024xf32, #tpu.memory_space<vmem>>
      %dma_start3A_1398 = arith.constant 0 : i32
      %dma_start3A_1399 = tpu.memref_slice %arg4[%add3A_1377, %dma_start3A_1398] : memref<32768x1024xf32, #tpu.memory_space<hbm>> -> memref<32x1024xf32, #tpu.memory_space<hbm>>
      %dma_start3A_1400 = tpu.memref_slice %arg8[%select_n3A_1393] : memref<3x!tpu.dma_semaphore, #tpu.memory_space<semaphore_mem>> -> memref<1x!tpu.dma_semaphore, #tpu.memory_space<semaphore_mem>>
      %dma_start3A_1401 = tpu.memref_squeeze %dma_start3A_1400 : memref<1x!tpu.dma_semaphore, #tpu.memory_space<semaphore_mem>> -> memref<!tpu.dma_semaphore, #tpu.memory_space<semaphore_mem>>
      %dma_start3A_1402 = arith.constant 0 : i32
      %dma_start3A_1403 = tpu.memref_slice %arg4[%add3A_1377, %dma_start3A_1402] : memref<32768x1024xf32, #tpu.memory_space<hbm>> -> memref<32x1024xf32, #tpu.memory_space<hbm>>
      %dma_start3A_1404 = arith.constant 0 : i32
      %dma_start3A_1405 = arith.constant 0 : i32
      %dma_start3A_1406 = tpu.memref_slice %arg6[%select_n3A_1372, %dma_start3A_1404, %dma_start3A_1405] : memref<3x32x1024xf32, #tpu.memory_space<vmem>> -> memref<1x32x1024xf32, #tpu.memory_space<vmem>>
      %dma_start3A_1407 = tpu.memref_squeeze %dma_start3A_1406 : memref<1x32x1024xf32, #tpu.memory_space<vmem>> -> memref<32x1024xf32, #tpu.memory_space<vmem>>
      tpu.enqueue_dma source(%dma_start3A_1407 : memref<32x1024xf32, #tpu.memory_space<vmem>>) target(%dma_start3A_1403 : memref<32x1024xf32, #tpu.memory_space<hbm>>) target_semaphore(%dma_start3A_1401 : memref<!tpu.dma_semaphore, #tpu.memory_space<semaphore_mem>>)
      %add3A_1408 = arith.constant 2 : i32
      %add3A_1409 = arith.addi %add3A_1240, %add3A_1408 : i32
      %jit3A_1410 = arith.constant 3 : i32
      %eq3A_1411 = arith.constant 0 : i32
      %eq3A_1412 = arith.cmpi eq, %jit3A_1410, %eq3A_1411 : i32
      %jit3A_1413 = arith.constant 1 : i32
      %select_n3A_1414 = arith.select %eq3A_1412, %jit3A_1413, %jit3A_1410 : i32
      %rem3A_1415 = arith.remsi %add3A_1409, %select_n3A_1414 : i32
      %ne3A_1416 = arith.constant 0 : i32
      %ne3A_1417 = arith.cmpi ne, %rem3A_1415, %ne3A_1416 : i32
      %lt3A_1418 = arith.constant 0 : i32
      %lt3A_1419 = arith.cmpi slt, %rem3A_1415, %lt3A_1418 : i32
      %lt3A_1420 = arith.constant 0 : i32
      %lt3A_1421 = arith.cmpi slt, %select_n3A_1414, %lt3A_1420 : i32
      %ne3A_1422 = arith.xori %lt3A_1419, %lt3A_1421 : i1
      %and3A_1423 = arith.andi %ne3A_1422, %ne3A_1417 : i1
      %add3A_1424 = arith.addi %rem3A_1415, %select_n3A_1414 : i32
      %select_n3A_1425 = arith.select %and3A_1423, %add3A_1424, %rem3A_1415 : i32
      %jit3A_1426 = arith.constant 3 : i32
      %eq3A_1427 = arith.constant 0 : i32
      %eq3A_1428 = arith.cmpi eq, %jit3A_1426, %eq3A_1427 : i32
      %jit3A_1429 = arith.constant 1 : i32
      %select_n3A_1430 = arith.select %eq3A_1428, %jit3A_1429, %jit3A_1426 : i32
      %rem3A_1431 = arith.remsi %add3A_1409, %select_n3A_1430 : i32
      %ne3A_1432 = arith.constant 0 : i32
      %ne3A_1433 = arith.cmpi ne, %rem3A_1431, %ne3A_1432 : i32
      %lt3A_1434 = arith.constant 0 : i32
      %lt3A_1435 = arith.cmpi slt, %rem3A_1431, %lt3A_1434 : i32
      %lt3A_1436 = arith.constant 0 : i32
      %lt3A_1437 = arith.cmpi slt, %select_n3A_1430, %lt3A_1436 : i32
      %ne3A_1438 = arith.xori %lt3A_1435, %lt3A_1437 : i1
      %and3A_1439 = arith.andi %ne3A_1438, %ne3A_1433 : i1
      %add3A_1440 = arith.addi %rem3A_1431, %select_n3A_1430 : i32
      %select_n3A_1441 = arith.select %and3A_1439, %add3A_1440, %rem3A_1431 : i32
      %dma_wait3A_1442 = arith.constant 0 : i32
      %dma_wait3A_1443 = arith.constant 0 : i32
      %dma_wait3A_1444 = tpu.memref_slice %arg6[%select_n3A_1425, %dma_wait3A_1442, %dma_wait3A_1443] : memref<3x32x1024xf32, #tpu.memory_space<vmem>> -> memref<1x32x1024xf32, #tpu.memory_space<vmem>>
      %dma_wait3A_1445 = tpu.memref_squeeze %dma_wait3A_1444 : memref<1x32x1024xf32, #tpu.memory_space<vmem>> -> memref<32x1024xf32, #tpu.memory_space<vmem>>
      %dma_wait3A_1446 = arith.constant 0 : i32
      %dma_wait3A_1447 = tpu.memref_slice %arg4[%mul3A_2, %dma_wait3A_1446] : memref<32768x1024xf32, #tpu.memory_space<hbm>> -> memref<32x1024xf32, #tpu.memory_space<hbm>>
      %dma_wait3A_1448 = tpu.memref_slice %arg8[%select_n3A_1441] : memref<3x!tpu.dma_semaphore, #tpu.memory_space<semaphore_mem>> -> memref<1x!tpu.dma_semaphore, #tpu.memory_space<semaphore_mem>>
      %dma_wait3A_1449 = tpu.memref_squeeze %dma_wait3A_1448 : memref<1x!tpu.dma_semaphore, #tpu.memory_space<semaphore_mem>> -> memref<!tpu.dma_semaphore, #tpu.memory_space<semaphore_mem>>
      %dma_wait3A_1450 = arith.constant 0 : i32
      %dma_wait3A_1451 = tpu.memref_slice %arg4[%mul3A_2, %dma_wait3A_1450] : memref<32768x1024xf32, #tpu.memory_space<hbm>> -> memref<32x1024xf32, #tpu.memory_space<hbm>>
      %dma_wait3A_1452 = arith.constant 0 : i32
      %dma_wait3A_1453 = arith.constant 0 : i32
      %dma_wait3A_1454 = tpu.memref_slice %arg6[%select_n3A_1425, %dma_wait3A_1452, %dma_wait3A_1453] : memref<3x32x1024xf32, #tpu.memory_space<vmem>> -> memref<1x32x1024xf32, #tpu.memory_space<vmem>>
      %dma_wait3A_1455 = tpu.memref_squeeze %dma_wait3A_1454 : memref<1x32x1024xf32, #tpu.memory_space<vmem>> -> memref<32x1024xf32, #tpu.memory_space<vmem>>
      tpu.wait_dma2 semaphore(%dma_wait3A_1449 : memref<!tpu.dma_semaphore, #tpu.memory_space<semaphore_mem>>) src(%dma_wait3A_1455 : memref<32x1024xf32, #tpu.memory_space<vmem>>) dst(%dma_wait3A_1451 : memref<32x1024xf32, #tpu.memory_space<hbm>>)
      %add3A_1456 = arith.constant 2 : i32
      %add3A_1457 = arith.addi %add3A_1240, %add3A_1456 : i32
      %mul3A_1458 = arith.constant 2 : i32
      %mul3A_1459 = arith.muli %add3A_1457, %mul3A_1458 : i32
      %add3A_1460 = arith.constant 0 : i32
      %add3A_1461 = arith.addi %mul3A_1459, %add3A_1460 : i32
      %mul3A_1462 = arith.constant 16 : i32
      %mul3A_1463 = arith.muli %add3A_1461, %mul3A_1462 : i32
      %jit3A_1464 = arith.constant 3 : i32
      %eq3A_1465 = arith.constant 0 : i32
      %eq3A_1466 = arith.cmpi eq, %jit3A_1464, %eq3A_1465 : i32
      %jit3A_1467 = arith.constant 1 : i32
      %select_n3A_1468 = arith.select %eq3A_1466, %jit3A_1467, %jit3A_1464 : i32
      %rem3A_1469 = arith.remsi %add3A_1457, %select_n3A_1468 : i32
      %ne3A_1470 = arith.constant 0 : i32
      %ne3A_1471 = arith.cmpi ne, %rem3A_1469, %ne3A_1470 : i32
      %lt3A_1472 = arith.constant 0 : i32
      %lt3A_1473 = arith.cmpi slt, %rem3A_1469, %lt3A_1472 : i32
      %lt3A_1474 = arith.constant 0 : i32
      %lt3A_1475 = arith.cmpi slt, %select_n3A_1468, %lt3A_1474 : i32
      %ne3A_1476 = arith.xori %lt3A_1473, %lt3A_1475 : i1
      %and3A_1477 = arith.andi %ne3A_1476, %ne3A_1471 : i1
      %add3A_1478 = arith.addi %rem3A_1469, %select_n3A_1468 : i32
      %select_n3A_1479 = arith.select %and3A_1477, %add3A_1478, %rem3A_1469 : i32
      %jit3A_1480 = arith.constant 3 : i32
      %eq3A_1481 = arith.constant 0 : i32
      %eq3A_1482 = arith.cmpi eq, %jit3A_1480, %eq3A_1481 : i32
      %jit3A_1483 = arith.constant 1 : i32
      %select_n3A_1484 = arith.select %eq3A_1482, %jit3A_1483, %jit3A_1480 : i32
      %rem3A_1485 = arith.remsi %add3A_1457, %select_n3A_1484 : i32
      %ne3A_1486 = arith.constant 0 : i32
      %ne3A_1487 = arith.cmpi ne, %rem3A_1485, %ne3A_1486 : i32
      %lt3A_1488 = arith.constant 0 : i32
      %lt3A_1489 = arith.cmpi slt, %rem3A_1485, %lt3A_1488 : i32
      %lt3A_1490 = arith.constant 0 : i32
      %lt3A_1491 = arith.cmpi slt, %select_n3A_1484, %lt3A_1490 : i32
      %ne3A_1492 = arith.xori %lt3A_1489, %lt3A_1491 : i1
      %and3A_1493 = arith.andi %ne3A_1492, %ne3A_1487 : i1
      %add3A_1494 = arith.addi %rem3A_1485, %select_n3A_1484 : i32
      %select_n3A_1495 = arith.select %and3A_1493, %add3A_1494, %rem3A_1485 : i32
      %mul3A_1496 = arith.constant 2 : i32
      %mul3A_1497 = arith.muli %select_n3A_1495, %mul3A_1496 : i32
      %add3A_1498 = arith.constant 0 : i32
      %add3A_1499 = arith.addi %mul3A_1497, %add3A_1498 : i32
      %dma_start3A_1500 = arith.constant 0 : i32
      %dma_start3A_1501 = arith.constant 0 : i32
      %dma_start3A_1502 = tpu.memref_slice %arg6[%select_n3A_1479, %dma_start3A_1500, %dma_start3A_1501] : memref<3x32x1024xf32, #tpu.memory_space<vmem>> -> memref<1x32x1024xf32, #tpu.memory_space<vmem>>
      %dma_start3A_1503 = tpu.memref_squeeze %dma_start3A_1502 : memref<1x32x1024xf32, #tpu.memory_space<vmem>> -> memref<32x1024xf32, #tpu.memory_space<vmem>>
      %dma_start3A_1504 = arith.constant 0 : i32
      %dma_start3A_1505 = arith.constant 0 : i32
      %dma_start3A_1506 = tpu.memref_slice %dma_start3A_1503[%dma_start3A_1504, %dma_start3A_1505] : memref<32x1024xf32, #tpu.memory_space<vmem>> -> memref<16x1024xf32, #tpu.memory_space<vmem>>
      %dma_start3A_1507 = tpu.memref_slice %arg5[%mul3A_1463] : memref<1024xi32, #tpu.memory_space<vmem>> -> memref<16xi32, #tpu.memory_space<vmem>>
      %dma_start3A_1508 = arith.constant 0 : i32
      %dma_start3A_1509 = arith.constant 0 : i32
      %dma_start3A_1510 = tpu.memref_slice %arg3[%dma_start3A_1508, %dma_start3A_1509] : memref<8192x1024xf32, #tpu.memory_space<hbm>> -> memref<8192x1024xf32, #tpu.memory_space<hbm>>
      %dma_start3A_1511 = tpu.memref_slice %arg7[%add3A_1499] : memref<6x!tpu.dma_semaphore, #tpu.memory_space<semaphore_mem>> -> memref<1x!tpu.dma_semaphore, #tpu.memory_space<semaphore_mem>>
      %dma_start3A_1512 = tpu.memref_squeeze %dma_start3A_1511 : memref<1x!tpu.dma_semaphore, #tpu.memory_space<semaphore_mem>> -> memref<!tpu.dma_semaphore, #tpu.memory_space<semaphore_mem>>
      tpu.enqueue_indirect_dma source(%dma_start3A_1510 : memref<8192x1024xf32, #tpu.memory_space<hbm>>) target(%dma_start3A_1506 : memref<16x1024xf32, #tpu.memory_space<vmem>>) offsets(%dma_start3A_1507 : memref<16xi32, #tpu.memory_space<vmem>>) semaphore(%dma_start3A_1512 : memref<!tpu.dma_semaphore, #tpu.memory_space<semaphore_mem>>)
      %mul3A_1513 = arith.constant 2 : i32
      %mul3A_1514 = arith.muli %add3A_1457, %mul3A_1513 : i32
      %add3A_1515 = arith.constant 1 : i32
      %add3A_1516 = arith.addi %mul3A_1514, %add3A_1515 : i32
      %mul3A_1517 = arith.constant 16 : i32
      %mul3A_1518 = arith.muli %add3A_1516, %mul3A_1517 : i32
      %jit3A_1519 = arith.constant 3 : i32
      %eq3A_1520 = arith.constant 0 : i32
      %eq3A_1521 = arith.cmpi eq, %jit3A_1519, %eq3A_1520 : i32
      %jit3A_1522 = arith.constant 1 : i32
      %select_n3A_1523 = arith.select %eq3A_1521, %jit3A_1522, %jit3A_1519 : i32
      %rem3A_1524 = arith.remsi %add3A_1457, %select_n3A_1523 : i32
      %ne3A_1525 = arith.constant 0 : i32
      %ne3A_1526 = arith.cmpi ne, %rem3A_1524, %ne3A_1525 : i32
      %lt3A_1527 = arith.constant 0 : i32
      %lt3A_1528 = arith.cmpi slt, %rem3A_1524, %lt3A_1527 : i32
      %lt3A_1529 = arith.constant 0 : i32
      %lt3A_1530 = arith.cmpi slt, %select_n3A_1523, %lt3A_1529 : i32
      %ne3A_1531 = arith.xori %lt3A_1528, %lt3A_1530 : i1
      %and3A_1532 = arith.andi %ne3A_1531, %ne3A_1526 : i1
      %add3A_1533 = arith.addi %rem3A_1524, %select_n3A_1523 : i32
      %select_n3A_1534 = arith.select %and3A_1532, %add3A_1533, %rem3A_1524 : i32
      %jit3A_1535 = arith.constant 3 : i32
      %eq3A_1536 = arith.constant 0 : i32
      %eq3A_1537 = arith.cmpi eq, %jit3A_1535, %eq3A_1536 : i32
      %jit3A_1538 = arith.constant 1 : i32
      %select_n3A_1539 = arith.select %eq3A_1537, %jit3A_1538, %jit3A_1535 : i32
      %rem3A_1540 = arith.remsi %add3A_1457, %select_n3A_1539 : i32
      %ne3A_1541 = arith.constant 0 : i32
      %ne3A_1542 = arith.cmpi ne, %rem3A_1540, %ne3A_1541 : i32
      %lt3A_1543 = arith.constant 0 : i32
      %lt3A_1544 = arith.cmpi slt, %rem3A_1540, %lt3A_1543 : i32
      %lt3A_1545 = arith.constant 0 : i32
      %lt3A_1546 = arith.cmpi slt, %select_n3A_1539, %lt3A_1545 : i32
      %ne3A_1547 = arith.xori %lt3A_1544, %lt3A_1546 : i1
      %and3A_1548 = arith.andi %ne3A_1547, %ne3A_1542 : i1
      %add3A_1549 = arith.addi %rem3A_1540, %select_n3A_1539 : i32
      %select_n3A_1550 = arith.select %and3A_1548, %add3A_1549, %rem3A_1540 : i32
      %mul3A_1551 = arith.constant 2 : i32
      %mul3A_1552 = arith.muli %select_n3A_1550, %mul3A_1551 : i32
      %add3A_1553 = arith.constant 1 : i32
      %add3A_1554 = arith.addi %mul3A_1552, %add3A_1553 : i32
      %dma_start3A_1555 = arith.constant 0 : i32
      %dma_start3A_1556 = arith.constant 0 : i32
      %dma_start3A_1557 = tpu.memref_slice %arg6[%select_n3A_1534, %dma_start3A_1555, %dma_start3A_1556] : memref<3x32x1024xf32, #tpu.memory_space<vmem>> -> memref<1x32x1024xf32, #tpu.memory_space<vmem>>
      %dma_start3A_1558 = tpu.memref_squeeze %dma_start3A_1557 : memref<1x32x1024xf32, #tpu.memory_space<vmem>> -> memref<32x1024xf32, #tpu.memory_space<vmem>>
      %dma_start3A_1559 = arith.constant 16 : i32
      %dma_start3A_1560 = arith.constant 0 : i32
      %dma_start3A_1561 = tpu.memref_slice %dma_start3A_1558[%dma_start3A_1559, %dma_start3A_1560] : memref<32x1024xf32, #tpu.memory_space<vmem>> -> memref<16x1024xf32, #tpu.memory_space<vmem>>
      %dma_start3A_1562 = tpu.memref_slice %arg5[%mul3A_1518] : memref<1024xi32, #tpu.memory_space<vmem>> -> memref<16xi32, #tpu.memory_space<vmem>>
      %dma_start3A_1563 = arith.constant 0 : i32
      %dma_start3A_1564 = arith.constant 0 : i32
      %dma_start3A_1565 = tpu.memref_slice %arg3[%dma_start3A_1563, %dma_start3A_1564] : memref<8192x1024xf32, #tpu.memory_space<hbm>> -> memref<8192x1024xf32, #tpu.memory_space<hbm>>
      %dma_start3A_1566 = tpu.memref_slice %arg7[%add3A_1554] : memref<6x!tpu.dma_semaphore, #tpu.memory_space<semaphore_mem>> -> memref<1x!tpu.dma_semaphore, #tpu.memory_space<semaphore_mem>>
      %dma_start3A_1567 = tpu.memref_squeeze %dma_start3A_1566 : memref<1x!tpu.dma_semaphore, #tpu.memory_space<semaphore_mem>> -> memref<!tpu.dma_semaphore, #tpu.memory_space<semaphore_mem>>
      tpu.enqueue_indirect_dma source(%dma_start3A_1565 : memref<8192x1024xf32, #tpu.memory_space<hbm>>) target(%dma_start3A_1561 : memref<16x1024xf32, #tpu.memory_space<vmem>>) offsets(%dma_start3A_1562 : memref<16xi32, #tpu.memory_space<vmem>>) semaphore(%dma_start3A_1567 : memref<!tpu.dma_semaphore, #tpu.memory_space<semaphore_mem>>)
    }
    %scan3A_280 = arith.constant 9 : i32
    %dma_wait3A_281 = arith.constant 2 : i32
    %dma_wait3A_282 = arith.constant 4 : i32
    %dma_wait3A_283 = arith.constant 0 : i32
    %dma_wait3A_284 = arith.constant 0 : i32
    %dma_wait3A_285 = tpu.memref_slice %arg6[%dma_wait3A_281, %dma_wait3A_283, %dma_wait3A_284] : memref<3x32x1024xf32, #tpu.memory_space<vmem>> -> memref<1x32x1024xf32, #tpu.memory_space<vmem>>
    %dma_wait3A_286 = tpu.memref_squeeze %dma_wait3A_285 : memref<1x32x1024xf32, #tpu.memory_space<vmem>> -> memref<32x1024xf32, #tpu.memory_space<vmem>>
    %dma_wait3A_287 = arith.constant 0 : i32
    %dma_wait3A_288 = arith.constant 0 : i32
    %dma_wait3A_289 = tpu.memref_slice %dma_wait3A_286[%dma_wait3A_287, %dma_wait3A_288] : memref<32x1024xf32, #tpu.memory_space<vmem>> -> memref<16x1024xf32, #tpu.memory_space<vmem>>
    %dma_wait3A_290 = arith.constant 0 : i32
    %dma_wait3A_291 = arith.constant 0 : i32
    %dma_wait3A_292 = tpu.memref_slice %arg3[%dma_wait3A_290, %dma_wait3A_291] : memref<8192x1024xf32, #tpu.memory_space<hbm>> -> memref<16x1024xf32, #tpu.memory_space<hbm>>
    %dma_wait3A_293 = tpu.memref_slice %arg7[%dma_wait3A_282] : memref<6x!tpu.dma_semaphore, #tpu.memory_space<semaphore_mem>> -> memref<1x!tpu.dma_semaphore, #tpu.memory_space<semaphore_mem>>
    %dma_wait3A_294 = tpu.memref_squeeze %dma_wait3A_293 : memref<1x!tpu.dma_semaphore, #tpu.memory_space<semaphore_mem>> -> memref<!tpu.dma_semaphore, #tpu.memory_space<semaphore_mem>>
    %dma_wait3A_295 = arith.constant 0 : i32
    %dma_wait3A_296 = arith.constant 0 : i32
    %dma_wait3A_297 = tpu.memref_slice %arg6[%dma_wait3A_281, %dma_wait3A_295, %dma_wait3A_296] : memref<3x32x1024xf32, #tpu.memory_space<vmem>> -> memref<1x32x1024xf32, #tpu.memory_space<vmem>>
    %dma_wait3A_298 = tpu.memref_squeeze %dma_wait3A_297 : memref<1x32x1024xf32, #tpu.memory_space<vmem>> -> memref<32x1024xf32, #tpu.memory_space<vmem>>
    %dma_wait3A_299 = arith.constant 0 : i32
    %dma_wait3A_300 = arith.constant 0 : i32
    %dma_wait3A_301 = tpu.memref_slice %dma_wait3A_298[%dma_wait3A_299, %dma_wait3A_300] : memref<32x1024xf32, #tpu.memory_space<vmem>> -> memref<16x1024xf32, #tpu.memory_space<vmem>>
    %dma_wait3A_302 = arith.constant 0 : i32
    %dma_wait3A_303 = arith.constant 0 : i32
    %dma_wait3A_304 = tpu.memref_slice %arg3[%dma_wait3A_302, %dma_wait3A_303] : memref<8192x1024xf32, #tpu.memory_space<hbm>> -> memref<16x1024xf32, #tpu.memory_space<hbm>>
    tpu.wait_dma2 semaphore(%dma_wait3A_294 : memref<!tpu.dma_semaphore, #tpu.memory_space<semaphore_mem>>) src(%dma_wait3A_304 : memref<16x1024xf32, #tpu.memory_space<hbm>>) dst(%dma_wait3A_301 : memref<16x1024xf32, #tpu.memory_space<vmem>>)
    %dma_wait3A_305 = arith.constant 2 : i32
    %dma_wait3A_306 = arith.constant 5 : i32
    %dma_wait3A_307 = arith.constant 0 : i32
    %dma_wait3A_308 = arith.constant 0 : i32
    %dma_wait3A_309 = tpu.memref_slice %arg6[%dma_wait3A_305, %dma_wait3A_307, %dma_wait3A_308] : memref<3x32x1024xf32, #tpu.memory_space<vmem>> -> memref<1x32x1024xf32, #tpu.memory_space<vmem>>
    %dma_wait3A_310 = tpu.memref_squeeze %dma_wait3A_309 : memref<1x32x1024xf32, #tpu.memory_space<vmem>> -> memref<32x1024xf32, #tpu.memory_space<vmem>>
    %dma_wait3A_311 = arith.constant 16 : i32
    %dma_wait3A_312 = arith.constant 0 : i32
    %dma_wait3A_313 = tpu.memref_slice %dma_wait3A_310[%dma_wait3A_311, %dma_wait3A_312] : memref<32x1024xf32, #tpu.memory_space<vmem>> -> memref<16x1024xf32, #tpu.memory_space<vmem>>
    %dma_wait3A_314 = arith.constant 0 : i32
    %dma_wait3A_315 = arith.constant 0 : i32
    %dma_wait3A_316 = tpu.memref_slice %arg3[%dma_wait3A_314, %dma_wait3A_315] : memref<8192x1024xf32, #tpu.memory_space<hbm>> -> memref<16x1024xf32, #tpu.memory_space<hbm>>
    %dma_wait3A_317 = tpu.memref_slice %arg7[%dma_wait3A_306] : memref<6x!tpu.dma_semaphore, #tpu.memory_space<semaphore_mem>> -> memref<1x!tpu.dma_semaphore, #tpu.memory_space<semaphore_mem>>
    %dma_wait3A_318 = tpu.memref_squeeze %dma_wait3A_317 : memref<1x!tpu.dma_semaphore, #tpu.memory_space<semaphore_mem>> -> memref<!tpu.dma_semaphore, #tpu.memory_space<semaphore_mem>>
    %dma_wait3A_319 = arith.constant 0 : i32
    %dma_wait3A_320 = arith.constant 0 : i32
    %dma_wait3A_321 = tpu.memref_slice %arg6[%dma_wait3A_305, %dma_wait3A_319, %dma_wait3A_320] : memref<3x32x1024xf32, #tpu.memory_space<vmem>> -> memref<1x32x1024xf32, #tpu.memory_space<vmem>>
    %dma_wait3A_322 = tpu.memref_squeeze %dma_wait3A_321 : memref<1x32x1024xf32, #tpu.memory_space<vmem>> -> memref<32x1024xf32, #tpu.memory_space<vmem>>
    %dma_wait3A_323 = arith.constant 16 : i32
    %dma_wait3A_324 = arith.constant 0 : i32
    %dma_wait3A_325 = tpu.memref_slice %dma_wait3A_322[%dma_wait3A_323, %dma_wait3A_324] : memref<32x1024xf32, #tpu.memory_space<vmem>> -> memref<16x1024xf32, #tpu.memory_space<vmem>>
    %dma_wait3A_326 = arith.constant 0 : i32
    %dma_wait3A_327 = arith.constant 0 : i32
    %dma_wait3A_328 = tpu.memref_slice %arg3[%dma_wait3A_326, %dma_wait3A_327] : memref<8192x1024xf32, #tpu.memory_space<hbm>> -> memref<16x1024xf32, #tpu.memory_space<hbm>>
    tpu.wait_dma2 semaphore(%dma_wait3A_318 : memref<!tpu.dma_semaphore, #tpu.memory_space<semaphore_mem>>) src(%dma_wait3A_328 : memref<16x1024xf32, #tpu.memory_space<hbm>>) dst(%dma_wait3A_325 : memref<16x1024xf32, #tpu.memory_space<vmem>>)
    %add3A_329 = arith.constant 928 : i32
    %add3A_330 = arith.addi %mul3A_2, %add3A_329 : i32
    %dma_start3A_331 = arith.constant 2 : i32
    %dma_start3A_332 = arith.constant 2 : i32
    %dma_start3A_333 = arith.constant 0 : i32
    %dma_start3A_334 = arith.constant 0 : i32
    %dma_start3A_335 = tpu.memref_slice %arg6[%dma_start3A_331, %dma_start3A_333, %dma_start3A_334] : memref<3x32x1024xf32, #tpu.memory_space<vmem>> -> memref<1x32x1024xf32, #tpu.memory_space<vmem>>
    %dma_start3A_336 = tpu.memref_squeeze %dma_start3A_335 : memref<1x32x1024xf32, #tpu.memory_space<vmem>> -> memref<32x1024xf32, #tpu.memory_space<vmem>>
    %dma_start3A_337 = arith.constant 0 : i32
    %dma_start3A_338 = tpu.memref_slice %arg4[%add3A_330, %dma_start3A_337] : memref<32768x1024xf32, #tpu.memory_space<hbm>> -> memref<32x1024xf32, #tpu.memory_space<hbm>>
    %dma_start3A_339 = tpu.memref_slice %arg8[%dma_start3A_332] : memref<3x!tpu.dma_semaphore, #tpu.memory_space<semaphore_mem>> -> memref<1x!tpu.dma_semaphore, #tpu.memory_space<semaphore_mem>>
    %dma_start3A_340 = tpu.memref_squeeze %dma_start3A_339 : memref<1x!tpu.dma_semaphore, #tpu.memory_space<semaphore_mem>> -> memref<!tpu.dma_semaphore, #tpu.memory_space<semaphore_mem>>
    %dma_start3A_341 = arith.constant 0 : i32
    %dma_start3A_342 = tpu.memref_slice %arg4[%add3A_330, %dma_start3A_341] : memref<32768x1024xf32, #tpu.memory_space<hbm>> -> memref<32x1024xf32, #tpu.memory_space<hbm>>
    %dma_start3A_343 = arith.constant 0 : i32
    %dma_start3A_344 = arith.constant 0 : i32
    %dma_start3A_345 = tpu.memref_slice %arg6[%dma_start3A_331, %dma_start3A_343, %dma_start3A_344] : memref<3x32x1024xf32, #tpu.memory_space<vmem>> -> memref<1x32x1024xf32, #tpu.memory_space<vmem>>
    %dma_start3A_346 = tpu.memref_squeeze %dma_start3A_345 : memref<1x32x1024xf32, #tpu.memory_space<vmem>> -> memref<32x1024xf32, #tpu.memory_space<vmem>>
    tpu.enqueue_dma source(%dma_start3A_346 : memref<32x1024xf32, #tpu.memory_space<vmem>>) target(%dma_start3A_342 : memref<32x1024xf32, #tpu.memory_space<hbm>>) target_semaphore(%dma_start3A_340 : memref<!tpu.dma_semaphore, #tpu.memory_space<semaphore_mem>>)
    %dma_wait3A_347 = arith.constant 1 : i32
    %dma_wait3A_348 = arith.constant 1 : i32
    %dma_wait3A_349 = arith.constant 0 : i32
    %dma_wait3A_350 = arith.constant 0 : i32
    %dma_wait3A_351 = tpu.memref_slice %arg6[%dma_wait3A_347, %dma_wait3A_349, %dma_wait3A_350] : memref<3x32x1024xf32, #tpu.memory_space<vmem>> -> memref<1x32x1024xf32, #tpu.memory_space<vmem>>
    %dma_wait3A_352 = tpu.memref_squeeze %dma_wait3A_351 : memref<1x32x1024xf32, #tpu.memory_space<vmem>> -> memref<32x1024xf32, #tpu.memory_space<vmem>>
    %dma_wait3A_353 = arith.constant 0 : i32
    %dma_wait3A_354 = tpu.memref_slice %arg4[%mul3A_2, %dma_wait3A_353] : memref<32768x1024xf32, #tpu.memory_space<hbm>> -> memref<32x1024xf32, #tpu.memory_space<hbm>>
    %dma_wait3A_355 = tpu.memref_slice %arg8[%dma_wait3A_348] : memref<3x!tpu.dma_semaphore, #tpu.memory_space<semaphore_mem>> -> memref<1x!tpu.dma_semaphore, #tpu.memory_space<semaphore_mem>>
    %dma_wait3A_356 = tpu.memref_squeeze %dma_wait3A_355 : memref<1x!tpu.dma_semaphore, #tpu.memory_space<semaphore_mem>> -> memref<!tpu.dma_semaphore, #tpu.memory_space<semaphore_mem>>
    %dma_wait3A_357 = arith.constant 0 : i32
    %dma_wait3A_358 = tpu.memref_slice %arg4[%mul3A_2, %dma_wait3A_357] : memref<32768x1024xf32, #tpu.memory_space<hbm>> -> memref<32x1024xf32, #tpu.memory_space<hbm>>
    %dma_wait3A_359 = arith.constant 0 : i32
    %dma_wait3A_360 = arith.constant 0 : i32
    %dma_wait3A_361 = tpu.memref_slice %arg6[%dma_wait3A_347, %dma_wait3A_359, %dma_wait3A_360] : memref<3x32x1024xf32, #tpu.memory_space<vmem>> -> memref<1x32x1024xf32, #tpu.memory_space<vmem>>
    %dma_wait3A_362 = tpu.memref_squeeze %dma_wait3A_361 : memref<1x32x1024xf32, #tpu.memory_space<vmem>> -> memref<32x1024xf32, #tpu.memory_space<vmem>>
    tpu.wait_dma2 semaphore(%dma_wait3A_356 : memref<!tpu.dma_semaphore, #tpu.memory_space<semaphore_mem>>) src(%dma_wait3A_362 : memref<32x1024xf32, #tpu.memory_space<vmem>>) dst(%dma_wait3A_358 : memref<32x1024xf32, #tpu.memory_space<hbm>>)
    %dma_start3A_363 = arith.constant 1 : i32
    %dma_start3A_364 = arith.constant 2 : i32
    %dma_start3A_365 = arith.constant 0 : i32
    %dma_start3A_366 = arith.constant 0 : i32
    %dma_start3A_367 = tpu.memref_slice %arg6[%dma_start3A_363, %dma_start3A_365, %dma_start3A_366] : memref<3x32x1024xf32, #tpu.memory_space<vmem>> -> memref<1x32x1024xf32, #tpu.memory_space<vmem>>
    %dma_start3A_368 = tpu.memref_squeeze %dma_start3A_367 : memref<1x32x1024xf32, #tpu.memory_space<vmem>> -> memref<32x1024xf32, #tpu.memory_space<vmem>>
    %dma_start3A_369 = arith.constant 0 : i32
    %dma_start3A_370 = arith.constant 0 : i32
    %dma_start3A_371 = tpu.memref_slice %dma_start3A_368[%dma_start3A_369, %dma_start3A_370] : memref<32x1024xf32, #tpu.memory_space<vmem>> -> memref<16x1024xf32, #tpu.memory_space<vmem>>
    %dma_start3A_372 = arith.constant 992 : i32
    %dma_start3A_373 = tpu.memref_slice %arg5[%dma_start3A_372] : memref<1024xi32, #tpu.memory_space<vmem>> -> memref<16xi32, #tpu.memory_space<vmem>>
    %dma_start3A_374 = arith.constant 0 : i32
    %dma_start3A_375 = arith.constant 0 : i32
    %dma_start3A_376 = tpu.memref_slice %arg3[%dma_start3A_374, %dma_start3A_375] : memref<8192x1024xf32, #tpu.memory_space<hbm>> -> memref<8192x1024xf32, #tpu.memory_space<hbm>>
    %dma_start3A_377 = tpu.memref_slice %arg7[%dma_start3A_364] : memref<6x!tpu.dma_semaphore, #tpu.memory_space<semaphore_mem>> -> memref<1x!tpu.dma_semaphore, #tpu.memory_space<semaphore_mem>>
    %dma_start3A_378 = tpu.memref_squeeze %dma_start3A_377 : memref<1x!tpu.dma_semaphore, #tpu.memory_space<semaphore_mem>> -> memref<!tpu.dma_semaphore, #tpu.memory_space<semaphore_mem>>
    tpu.enqueue_indirect_dma source(%dma_start3A_376 : memref<8192x1024xf32, #tpu.memory_space<hbm>>) target(%dma_start3A_371 : memref<16x1024xf32, #tpu.memory_space<vmem>>) offsets(%dma_start3A_373 : memref<16xi32, #tpu.memory_space<vmem>>) semaphore(%dma_start3A_378 : memref<!tpu.dma_semaphore, #tpu.memory_space<semaphore_mem>>)
    %dma_start3A_379 = arith.constant 1 : i32
    %dma_start3A_380 = arith.constant 3 : i32
    %dma_start3A_381 = arith.constant 0 : i32
    %dma_start3A_382 = arith.constant 0 : i32
    %dma_start3A_383 = tpu.memref_slice %arg6[%dma_start3A_379, %dma_start3A_381, %dma_start3A_382] : memref<3x32x1024xf32, #tpu.memory_space<vmem>> -> memref<1x32x1024xf32, #tpu.memory_space<vmem>>
    %dma_start3A_384 = tpu.memref_squeeze %dma_start3A_383 : memref<1x32x1024xf32, #tpu.memory_space<vmem>> -> memref<32x1024xf32, #tpu.memory_space<vmem>>
    %dma_start3A_385 = arith.constant 16 : i32
    %dma_start3A_386 = arith.constant 0 : i32
    %dma_start3A_387 = tpu.memref_slice %dma_start3A_384[%dma_start3A_385, %dma_start3A_386] : memref<32x1024xf32, #tpu.memory_space<vmem>> -> memref<16x1024xf32, #tpu.memory_space<vmem>>
    %dma_start3A_388 = arith.constant 1008 : i32
    %dma_start3A_389 = tpu.memref_slice %arg5[%dma_start3A_388] : memref<1024xi32, #tpu.memory_space<vmem>> -> memref<16xi32, #tpu.memory_space<vmem>>
    %dma_start3A_390 = arith.constant 0 : i32
    %dma_start3A_391 = arith.constant 0 : i32
    %dma_start3A_392 = tpu.memref_slice %arg3[%dma_start3A_390, %dma_start3A_391] : memref<8192x1024xf32, #tpu.memory_space<hbm>> -> memref<8192x1024xf32, #tpu.memory_space<hbm>>
    %dma_start3A_393 = tpu.memref_slice %arg7[%dma_start3A_380] : memref<6x!tpu.dma_semaphore, #tpu.memory_space<semaphore_mem>> -> memref<1x!tpu.dma_semaphore, #tpu.memory_space<semaphore_mem>>
    %dma_start3A_394 = tpu.memref_squeeze %dma_start3A_393 : memref<1x!tpu.dma_semaphore, #tpu.memory_space<semaphore_mem>> -> memref<!tpu.dma_semaphore, #tpu.memory_space<semaphore_mem>>
    tpu.enqueue_indirect_dma source(%dma_start3A_392 : memref<8192x1024xf32, #tpu.memory_space<hbm>>) target(%dma_start3A_387 : memref<16x1024xf32, #tpu.memory_space<vmem>>) offsets(%dma_start3A_389 : memref<16xi32, #tpu.memory_space<vmem>>) semaphore(%dma_start3A_394 : memref<!tpu.dma_semaphore, #tpu.memory_space<semaphore_mem>>)
    %dma_wait3A_395 = arith.constant 0 : i32
    %dma_wait3A_396 = arith.constant 0 : i32
    %dma_wait3A_397 = arith.constant 0 : i32
    %dma_wait3A_398 = arith.constant 0 : i32
    %dma_wait3A_399 = tpu.memref_slice %arg6[%dma_wait3A_395, %dma_wait3A_397, %dma_wait3A_398] : memref<3x32x1024xf32, #tpu.memory_space<vmem>> -> memref<1x32x1024xf32, #tpu.memory_space<vmem>>
    %dma_wait3A_400 = tpu.memref_squeeze %dma_wait3A_399 : memref<1x32x1024xf32, #tpu.memory_space<vmem>> -> memref<32x1024xf32, #tpu.memory_space<vmem>>
    %dma_wait3A_401 = arith.constant 0 : i32
    %dma_wait3A_402 = arith.constant 0 : i32
    %dma_wait3A_403 = tpu.memref_slice %dma_wait3A_400[%dma_wait3A_401, %dma_wait3A_402] : memref<32x1024xf32, #tpu.memory_space<vmem>> -> memref<16x1024xf32, #tpu.memory_space<vmem>>
    %dma_wait3A_404 = arith.constant 0 : i32
    %dma_wait3A_405 = arith.constant 0 : i32
    %dma_wait3A_406 = tpu.memref_slice %arg3[%dma_wait3A_404, %dma_wait3A_405] : memref<8192x1024xf32, #tpu.memory_space<hbm>> -> memref<16x1024xf32, #tpu.memory_space<hbm>>
    %dma_wait3A_407 = tpu.memref_slice %arg7[%dma_wait3A_396] : memref<6x!tpu.dma_semaphore, #tpu.memory_space<semaphore_mem>> -> memref<1x!tpu.dma_semaphore, #tpu.memory_space<semaphore_mem>>
    %dma_wait3A_408 = tpu.memref_squeeze %dma_wait3A_407 : memref<1x!tpu.dma_semaphore, #tpu.memory_space<semaphore_mem>> -> memref<!tpu.dma_semaphore, #tpu.memory_space<semaphore_mem>>
    %dma_wait3A_409 = arith.constant 0 : i32
    %dma_wait3A_410 = arith.constant 0 : i32
    %dma_wait3A_411 = tpu.memref_slice %arg6[%dma_wait3A_395, %dma_wait3A_409, %dma_wait3A_410] : memref<3x32x1024xf32, #tpu.memory_space<vmem>> -> memref<1x32x1024xf32, #tpu.memory_space<vmem>>
    %dma_wait3A_412 = tpu.memref_squeeze %dma_wait3A_411 : memref<1x32x1024xf32, #tpu.memory_space<vmem>> -> memref<32x1024xf32, #tpu.memory_space<vmem>>
    %dma_wait3A_413 = arith.constant 0 : i32
    %dma_wait3A_414 = arith.constant 0 : i32
    %dma_wait3A_415 = tpu.memref_slice %dma_wait3A_412[%dma_wait3A_413, %dma_wait3A_414] : memref<32x1024xf32, #tpu.memory_space<vmem>> -> memref<16x1024xf32, #tpu.memory_space<vmem>>
    %dma_wait3A_416 = arith.constant 0 : i32
    %dma_wait3A_417 = arith.constant 0 : i32
    %dma_wait3A_418 = tpu.memref_slice %arg3[%dma_wait3A_416, %dma_wait3A_417] : memref<8192x1024xf32, #tpu.memory_space<hbm>> -> memref<16x1024xf32, #tpu.memory_space<hbm>>
    tpu.wait_dma2 semaphore(%dma_wait3A_408 : memref<!tpu.dma_semaphore, #tpu.memory_space<semaphore_mem>>) src(%dma_wait3A_418 : memref<16x1024xf32, #tpu.memory_space<hbm>>) dst(%dma_wait3A_415 : memref<16x1024xf32, #tpu.memory_space<vmem>>)
    %dma_wait3A_419 = arith.constant 0 : i32
    %dma_wait3A_420 = arith.constant 1 : i32
    %dma_wait3A_421 = arith.constant 0 : i32
    %dma_wait3A_422 = arith.constant 0 : i32
    %dma_wait3A_423 = tpu.memref_slice %arg6[%dma_wait3A_419, %dma_wait3A_421, %dma_wait3A_422] : memref<3x32x1024xf32, #tpu.memory_space<vmem>> -> memref<1x32x1024xf32, #tpu.memory_space<vmem>>
    %dma_wait3A_424 = tpu.memref_squeeze %dma_wait3A_423 : memref<1x32x1024xf32, #tpu.memory_space<vmem>> -> memref<32x1024xf32, #tpu.memory_space<vmem>>
    %dma_wait3A_425 = arith.constant 16 : i32
    %dma_wait3A_426 = arith.constant 0 : i32
    %dma_wait3A_427 = tpu.memref_slice %dma_wait3A_424[%dma_wait3A_425, %dma_wait3A_426] : memref<32x1024xf32, #tpu.memory_space<vmem>> -> memref<16x1024xf32, #tpu.memory_space<vmem>>
    %dma_wait3A_428 = arith.constant 0 : i32
    %dma_wait3A_429 = arith.constant 0 : i32
    %dma_wait3A_430 = tpu.memref_slice %arg3[%dma_wait3A_428, %dma_wait3A_429] : memref<8192x1024xf32, #tpu.memory_space<hbm>> -> memref<16x1024xf32, #tpu.memory_space<hbm>>
    %dma_wait3A_431 = tpu.memref_slice %arg7[%dma_wait3A_420] : memref<6x!tpu.dma_semaphore, #tpu.memory_space<semaphore_mem>> -> memref<1x!tpu.dma_semaphore, #tpu.memory_space<semaphore_mem>>
    %dma_wait3A_432 = tpu.memref_squeeze %dma_wait3A_431 : memref<1x!tpu.dma_semaphore, #tpu.memory_space<semaphore_mem>> -> memref<!tpu.dma_semaphore, #tpu.memory_space<semaphore_mem>>
    %dma_wait3A_433 = arith.constant 0 : i32
    %dma_wait3A_434 = arith.constant 0 : i32
    %dma_wait3A_435 = tpu.memref_slice %arg6[%dma_wait3A_419, %dma_wait3A_433, %dma_wait3A_434] : memref<3x32x1024xf32, #tpu.memory_space<vmem>> -> memref<1x32x1024xf32, #tpu.memory_space<vmem>>
    %dma_wait3A_436 = tpu.memref_squeeze %dma_wait3A_435 : memref<1x32x1024xf32, #tpu.memory_space<vmem>> -> memref<32x1024xf32, #tpu.memory_space<vmem>>
    %dma_wait3A_437 = arith.constant 16 : i32
    %dma_wait3A_438 = arith.constant 0 : i32
    %dma_wait3A_439 = tpu.memref_slice %dma_wait3A_436[%dma_wait3A_437, %dma_wait3A_438] : memref<32x1024xf32, #tpu.memory_space<vmem>> -> memref<16x1024xf32, #tpu.memory_space<vmem>>
    %dma_wait3A_440 = arith.constant 0 : i32
    %dma_wait3A_441 = arith.constant 0 : i32
    %dma_wait3A_442 = tpu.memref_slice %arg3[%dma_wait3A_440, %dma_wait3A_441] : memref<8192x1024xf32, #tpu.memory_space<hbm>> -> memref<16x1024xf32, #tpu.memory_space<hbm>>
    tpu.wait_dma2 semaphore(%dma_wait3A_432 : memref<!tpu.dma_semaphore, #tpu.memory_space<semaphore_mem>>) src(%dma_wait3A_442 : memref<16x1024xf32, #tpu.memory_space<hbm>>) dst(%dma_wait3A_439 : memref<16x1024xf32, #tpu.memory_space<vmem>>)
    %add3A_443 = arith.constant 960 : i32
    %add3A_444 = arith.addi %mul3A_2, %add3A_443 : i32
    %dma_start3A_445 = arith.constant 0 : i32
    %dma_start3A_446 = arith.constant 0 : i32
    %dma_start3A_447 = arith.constant 0 : i32
    %dma_start3A_448 = arith.constant 0 : i32
    %dma_start3A_449 = tpu.memref_slice %arg6[%dma_start3A_445, %dma_start3A_447, %dma_start3A_448] : memref<3x32x1024xf32, #tpu.memory_space<vmem>> -> memref<1x32x1024xf32, #tpu.memory_space<vmem>>
    %dma_start3A_450 = tpu.memref_squeeze %dma_start3A_449 : memref<1x32x1024xf32, #tpu.memory_space<vmem>> -> memref<32x1024xf32, #tpu.memory_space<vmem>>
    %dma_start3A_451 = arith.constant 0 : i32
    %dma_start3A_452 = tpu.memref_slice %arg4[%add3A_444, %dma_start3A_451] : memref<32768x1024xf32, #tpu.memory_space<hbm>> -> memref<32x1024xf32, #tpu.memory_space<hbm>>
    %dma_start3A_453 = tpu.memref_slice %arg8[%dma_start3A_446] : memref<3x!tpu.dma_semaphore, #tpu.memory_space<semaphore_mem>> -> memref<1x!tpu.dma_semaphore, #tpu.memory_space<semaphore_mem>>
    %dma_start3A_454 = tpu.memref_squeeze %dma_start3A_453 : memref<1x!tpu.dma_semaphore, #tpu.memory_space<semaphore_mem>> -> memref<!tpu.dma_semaphore, #tpu.memory_space<semaphore_mem>>
    %dma_start3A_455 = arith.constant 0 : i32
    %dma_start3A_456 = tpu.memref_slice %arg4[%add3A_444, %dma_start3A_455] : memref<32768x1024xf32, #tpu.memory_space<hbm>> -> memref<32x1024xf32, #tpu.memory_space<hbm>>
    %dma_start3A_457 = arith.constant 0 : i32
    %dma_start3A_458 = arith.constant 0 : i32
    %dma_start3A_459 = tpu.memref_slice %arg6[%dma_start3A_445, %dma_start3A_457, %dma_start3A_458] : memref<3x32x1024xf32, #tpu.memory_space<vmem>> -> memref<1x32x1024xf32, #tpu.memory_space<vmem>>
    %dma_start3A_460 = tpu.memref_squeeze %dma_start3A_459 : memref<1x32x1024xf32, #tpu.memory_space<vmem>> -> memref<32x1024xf32, #tpu.memory_space<vmem>>
    tpu.enqueue_dma source(%dma_start3A_460 : memref<32x1024xf32, #tpu.memory_space<vmem>>) target(%dma_start3A_456 : memref<32x1024xf32, #tpu.memory_space<hbm>>) target_semaphore(%dma_start3A_454 : memref<!tpu.dma_semaphore, #tpu.memory_space<semaphore_mem>>)
    %dma_wait3A_461 = arith.constant 2 : i32
    %dma_wait3A_462 = arith.constant 2 : i32
    %dma_wait3A_463 = arith.constant 0 : i32
    %dma_wait3A_464 = arith.constant 0 : i32
    %dma_wait3A_465 = tpu.memref_slice %arg6[%dma_wait3A_461, %dma_wait3A_463, %dma_wait3A_464] : memref<3x32x1024xf32, #tpu.memory_space<vmem>> -> memref<1x32x1024xf32, #tpu.memory_space<vmem>>
    %dma_wait3A_466 = tpu.memref_squeeze %dma_wait3A_465 : memref<1x32x1024xf32, #tpu.memory_space<vmem>> -> memref<32x1024xf32, #tpu.memory_space<vmem>>
    %dma_wait3A_467 = arith.constant 0 : i32
    %dma_wait3A_468 = tpu.memref_slice %arg4[%mul3A_2, %dma_wait3A_467] : memref<32768x1024xf32, #tpu.memory_space<hbm>> -> memref<32x1024xf32, #tpu.memory_space<hbm>>
    %dma_wait3A_469 = tpu.memref_slice %arg8[%dma_wait3A_462] : memref<3x!tpu.dma_semaphore, #tpu.memory_space<semaphore_mem>> -> memref<1x!tpu.dma_semaphore, #tpu.memory_space<semaphore_mem>>
    %dma_wait3A_470 = tpu.memref_squeeze %dma_wait3A_469 : memref<1x!tpu.dma_semaphore, #tpu.memory_space<semaphore_mem>> -> memref<!tpu.dma_semaphore, #tpu.memory_space<semaphore_mem>>
    %dma_wait3A_471 = arith.constant 0 : i32
    %dma_wait3A_472 = tpu.memref_slice %arg4[%mul3A_2, %dma_wait3A_471] : memref<32768x1024xf32, #tpu.memory_space<hbm>> -> memref<32x1024xf32, #tpu.memory_space<hbm>>
    %dma_wait3A_473 = arith.constant 0 : i32
    %dma_wait3A_474 = arith.constant 0 : i32
    %dma_wait3A_475 = tpu.memref_slice %arg6[%dma_wait3A_461, %dma_wait3A_473, %dma_wait3A_474] : memref<3x32x1024xf32, #tpu.memory_space<vmem>> -> memref<1x32x1024xf32, #tpu.memory_space<vmem>>
    %dma_wait3A_476 = tpu.memref_squeeze %dma_wait3A_475 : memref<1x32x1024xf32, #tpu.memory_space<vmem>> -> memref<32x1024xf32, #tpu.memory_space<vmem>>
    tpu.wait_dma2 semaphore(%dma_wait3A_470 : memref<!tpu.dma_semaphore, #tpu.memory_space<semaphore_mem>>) src(%dma_wait3A_476 : memref<32x1024xf32, #tpu.memory_space<vmem>>) dst(%dma_wait3A_472 : memref<32x1024xf32, #tpu.memory_space<hbm>>)
    %dma_wait3A_477 = arith.constant 1 : i32
    %dma_wait3A_478 = arith.constant 2 : i32
    %dma_wait3A_479 = arith.constant 0 : i32
    %dma_wait3A_480 = arith.constant 0 : i32
    %dma_wait3A_481 = tpu.memref_slice %arg6[%dma_wait3A_477, %dma_wait3A_479, %dma_wait3A_480] : memref<3x32x1024xf32, #tpu.memory_space<vmem>> -> memref<1x32x1024xf32, #tpu.memory_space<vmem>>
    %dma_wait3A_482 = tpu.memref_squeeze %dma_wait3A_481 : memref<1x32x1024xf32, #tpu.memory_space<vmem>> -> memref<32x1024xf32, #tpu.memory_space<vmem>>
    %dma_wait3A_483 = arith.constant 0 : i32
    %dma_wait3A_484 = arith.constant 0 : i32
    %dma_wait3A_485 = tpu.memref_slice %dma_wait3A_482[%dma_wait3A_483, %dma_wait3A_484] : memref<32x1024xf32, #tpu.memory_space<vmem>> -> memref<16x1024xf32, #tpu.memory_space<vmem>>
    %dma_wait3A_486 = arith.constant 0 : i32
    %dma_wait3A_487 = arith.constant 0 : i32
    %dma_wait3A_488 = tpu.memref_slice %arg3[%dma_wait3A_486, %dma_wait3A_487] : memref<8192x1024xf32, #tpu.memory_space<hbm>> -> memref<16x1024xf32, #tpu.memory_space<hbm>>
    %dma_wait3A_489 = tpu.memref_slice %arg7[%dma_wait3A_478] : memref<6x!tpu.dma_semaphore, #tpu.memory_space<semaphore_mem>> -> memref<1x!tpu.dma_semaphore, #tpu.memory_space<semaphore_mem>>
    %dma_wait3A_490 = tpu.memref_squeeze %dma_wait3A_489 : memref<1x!tpu.dma_semaphore, #tpu.memory_space<semaphore_mem>> -> memref<!tpu.dma_semaphore, #tpu.memory_space<semaphore_mem>>
    %dma_wait3A_491 = arith.constant 0 : i32
    %dma_wait3A_492 = arith.constant 0 : i32
    %dma_wait3A_493 = tpu.memref_slice %arg6[%dma_wait3A_477, %dma_wait3A_491, %dma_wait3A_492] : memref<3x32x1024xf32, #tpu.memory_space<vmem>> -> memref<1x32x1024xf32, #tpu.memory_space<vmem>>
    %dma_wait3A_494 = tpu.memref_squeeze %dma_wait3A_493 : memref<1x32x1024xf32, #tpu.memory_space<vmem>> -> memref<32x1024xf32, #tpu.memory_space<vmem>>
    %dma_wait3A_495 = arith.constant 0 : i32
    %dma_wait3A_496 = arith.constant 0 : i32
    %dma_wait3A_497 = tpu.memref_slice %dma_wait3A_494[%dma_wait3A_495, %dma_wait3A_496] : memref<32x1024xf32, #tpu.memory_space<vmem>> -> memref<16x1024xf32, #tpu.memory_space<vmem>>
    %dma_wait3A_498 = arith.constant 0 : i32
    %dma_wait3A_499 = arith.constant 0 : i32
    %dma_wait3A_500 = tpu.memref_slice %arg3[%dma_wait3A_498, %dma_wait3A_499] : memref<8192x1024xf32, #tpu.memory_space<hbm>> -> memref<16x1024xf32, #tpu.memory_space<hbm>>
    tpu.wait_dma2 semaphore(%dma_wait3A_490 : memref<!tpu.dma_semaphore, #tpu.memory_space<semaphore_mem>>) src(%dma_wait3A_500 : memref<16x1024xf32, #tpu.memory_space<hbm>>) dst(%dma_wait3A_497 : memref<16x1024xf32, #tpu.memory_space<vmem>>)
    %dma_wait3A_501 = arith.constant 1 : i32
    %dma_wait3A_502 = arith.constant 3 : i32
    %dma_wait3A_503 = arith.constant 0 : i32
    %dma_wait3A_504 = arith.constant 0 : i32
    %dma_wait3A_505 = tpu.memref_slice %arg6[%dma_wait3A_501, %dma_wait3A_503, %dma_wait3A_504] : memref<3x32x1024xf32, #tpu.memory_space<vmem>> -> memref<1x32x1024xf32, #tpu.memory_space<vmem>>
    %dma_wait3A_506 = tpu.memref_squeeze %dma_wait3A_505 : memref<1x32x1024xf32, #tpu.memory_space<vmem>> -> memref<32x1024xf32, #tpu.memory_space<vmem>>
    %dma_wait3A_507 = arith.constant 16 : i32
    %dma_wait3A_508 = arith.constant 0 : i32
    %dma_wait3A_509 = tpu.memref_slice %dma_wait3A_506[%dma_wait3A_507, %dma_wait3A_508] : memref<32x1024xf32, #tpu.memory_space<vmem>> -> memref<16x1024xf32, #tpu.memory_space<vmem>>
    %dma_wait3A_510 = arith.constant 0 : i32
    %dma_wait3A_511 = arith.constant 0 : i32
    %dma_wait3A_512 = tpu.memref_slice %arg3[%dma_wait3A_510, %dma_wait3A_511] : memref<8192x1024xf32, #tpu.memory_space<hbm>> -> memref<16x1024xf32, #tpu.memory_space<hbm>>
    %dma_wait3A_513 = tpu.memref_slice %arg7[%dma_wait3A_502] : memref<6x!tpu.dma_semaphore, #tpu.memory_space<semaphore_mem>> -> memref<1x!tpu.dma_semaphore, #tpu.memory_space<semaphore_mem>>
    %dma_wait3A_514 = tpu.memref_squeeze %dma_wait3A_513 : memref<1x!tpu.dma_semaphore, #tpu.memory_space<semaphore_mem>> -> memref<!tpu.dma_semaphore, #tpu.memory_space<semaphore_mem>>
    %dma_wait3A_515 = arith.constant 0 : i32
    %dma_wait3A_516 = arith.constant 0 : i32
    %dma_wait3A_517 = tpu.memref_slice %arg6[%dma_wait3A_501, %dma_wait3A_515, %dma_wait3A_516] : memref<3x32x1024xf32, #tpu.memory_space<vmem>> -> memref<1x32x1024xf32, #tpu.memory_space<vmem>>
    %dma_wait3A_518 = tpu.memref_squeeze %dma_wait3A_517 : memref<1x32x1024xf32, #tpu.memory_space<vmem>> -> memref<32x1024xf32, #tpu.memory_space<vmem>>
    %dma_wait3A_519 = arith.constant 16 : i32
    %dma_wait3A_520 = arith.constant 0 : i32
    %dma_wait3A_521 = tpu.memref_slice %dma_wait3A_518[%dma_wait3A_519, %dma_wait3A_520] : memref<32x1024xf32, #tpu.memory_space<vmem>> -> memref<16x1024xf32, #tpu.memory_space<vmem>>
    %dma_wait3A_522 = arith.constant 0 : i32
    %dma_wait3A_523 = arith.constant 0 : i32
    %dma_wait3A_524 = tpu.memref_slice %arg3[%dma_wait3A_522, %dma_wait3A_523] : memref<8192x1024xf32, #tpu.memory_space<hbm>> -> memref<16x1024xf32, #tpu.memory_space<hbm>>
    tpu.wait_dma2 semaphore(%dma_wait3A_514 : memref<!tpu.dma_semaphore, #tpu.memory_space<semaphore_mem>>) src(%dma_wait3A_524 : memref<16x1024xf32, #tpu.memory_space<hbm>>) dst(%dma_wait3A_521 : memref<16x1024xf32, #tpu.memory_space<vmem>>)
    %add3A_525 = arith.constant 992 : i32
    %add3A_526 = arith.addi %mul3A_2, %add3A_525 : i32
    %dma_start3A_527 = arith.constant 1 : i32
    %dma_start3A_528 = arith.constant 1 : i32
    %dma_start3A_529 = arith.constant 0 : i32
    %dma_start3A_530 = arith.constant 0 : i32
    %dma_start3A_531 = tpu.memref_slice %arg6[%dma_start3A_527, %dma_start3A_529, %dma_start3A_530] : memref<3x32x1024xf32, #tpu.memory_space<vmem>> -> memref<1x32x1024xf32, #tpu.memory_space<vmem>>
    %dma_start3A_532 = tpu.memref_squeeze %dma_start3A_531 : memref<1x32x1024xf32, #tpu.memory_space<vmem>> -> memref<32x1024xf32, #tpu.memory_space<vmem>>
    %dma_start3A_533 = arith.constant 0 : i32
    %dma_start3A_534 = tpu.memref_slice %arg4[%add3A_526, %dma_start3A_533] : memref<32768x1024xf32, #tpu.memory_space<hbm>> -> memref<32x1024xf32, #tpu.memory_space<hbm>>
    %dma_start3A_535 = tpu.memref_slice %arg8[%dma_start3A_528] : memref<3x!tpu.dma_semaphore, #tpu.memory_space<semaphore_mem>> -> memref<1x!tpu.dma_semaphore, #tpu.memory_space<semaphore_mem>>
    %dma_start3A_536 = tpu.memref_squeeze %dma_start3A_535 : memref<1x!tpu.dma_semaphore, #tpu.memory_space<semaphore_mem>> -> memref<!tpu.dma_semaphore, #tpu.memory_space<semaphore_mem>>
    %dma_start3A_537 = arith.constant 0 : i32
    %dma_start3A_538 = tpu.memref_slice %arg4[%add3A_526, %dma_start3A_537] : memref<32768x1024xf32, #tpu.memory_space<hbm>> -> memref<32x1024xf32, #tpu.memory_space<hbm>>
    %dma_start3A_539 = arith.constant 0 : i32
    %dma_start3A_540 = arith.constant 0 : i32
    %dma_start3A_541 = tpu.memref_slice %arg6[%dma_start3A_527, %dma_start3A_539, %dma_start3A_540] : memref<3x32x1024xf32, #tpu.memory_space<vmem>> -> memref<1x32x1024xf32, #tpu.memory_space<vmem>>
    %dma_start3A_542 = tpu.memref_squeeze %dma_start3A_541 : memref<1x32x1024xf32, #tpu.memory_space<vmem>> -> memref<32x1024xf32, #tpu.memory_space<vmem>>
    tpu.enqueue_dma source(%dma_start3A_542 : memref<32x1024xf32, #tpu.memory_space<vmem>>) target(%dma_start3A_538 : memref<32x1024xf32, #tpu.memory_space<hbm>>) target_semaphore(%dma_start3A_536 : memref<!tpu.dma_semaphore, #tpu.memory_space<semaphore_mem>>)
    %dma_wait3A_543 = arith.constant 0 : i32
    %dma_wait3A_544 = arith.constant 0 : i32
    %dma_wait3A_545 = arith.constant 0 : i32
    %dma_wait3A_546 = arith.constant 0 : i32
    %dma_wait3A_547 = tpu.memref_slice %arg6[%dma_wait3A_543, %dma_wait3A_545, %dma_wait3A_546] : memref<3x32x1024xf32, #tpu.memory_space<vmem>> -> memref<1x32x1024xf32, #tpu.memory_space<vmem>>
    %dma_wait3A_548 = tpu.memref_squeeze %dma_wait3A_547 : memref<1x32x1024xf32, #tpu.memory_space<vmem>> -> memref<32x1024xf32, #tpu.memory_space<vmem>>
    %dma_wait3A_549 = arith.constant 0 : i32
    %dma_wait3A_550 = tpu.memref_slice %arg4[%mul3A_2, %dma_wait3A_549] : memref<32768x1024xf32, #tpu.memory_space<hbm>> -> memref<32x1024xf32, #tpu.memory_space<hbm>>
    %dma_wait3A_551 = tpu.memref_slice %arg8[%dma_wait3A_544] : memref<3x!tpu.dma_semaphore, #tpu.memory_space<semaphore_mem>> -> memref<1x!tpu.dma_semaphore, #tpu.memory_space<semaphore_mem>>
    %dma_wait3A_552 = tpu.memref_squeeze %dma_wait3A_551 : memref<1x!tpu.dma_semaphore, #tpu.memory_space<semaphore_mem>> -> memref<!tpu.dma_semaphore, #tpu.memory_space<semaphore_mem>>
    %dma_wait3A_553 = arith.constant 0 : i32
    %dma_wait3A_554 = tpu.memref_slice %arg4[%mul3A_2, %dma_wait3A_553] : memref<32768x1024xf32, #tpu.memory_space<hbm>> -> memref<32x1024xf32, #tpu.memory_space<hbm>>
    %dma_wait3A_555 = arith.constant 0 : i32
    %dma_wait3A_556 = arith.constant 0 : i32
    %dma_wait3A_557 = tpu.memref_slice %arg6[%dma_wait3A_543, %dma_wait3A_555, %dma_wait3A_556] : memref<3x32x1024xf32, #tpu.memory_space<vmem>> -> memref<1x32x1024xf32, #tpu.memory_space<vmem>>
    %dma_wait3A_558 = tpu.memref_squeeze %dma_wait3A_557 : memref<1x32x1024xf32, #tpu.memory_space<vmem>> -> memref<32x1024xf32, #tpu.memory_space<vmem>>
    tpu.wait_dma2 semaphore(%dma_wait3A_552 : memref<!tpu.dma_semaphore, #tpu.memory_space<semaphore_mem>>) src(%dma_wait3A_558 : memref<32x1024xf32, #tpu.memory_space<vmem>>) dst(%dma_wait3A_554 : memref<32x1024xf32, #tpu.memory_space<hbm>>)
    %dma_wait3A_559 = arith.constant 1 : i32
    %dma_wait3A_560 = arith.constant 1 : i32
    %dma_wait3A_561 = arith.constant 0 : i32
    %dma_wait3A_562 = arith.constant 0 : i32
    %dma_wait3A_563 = tpu.memref_slice %arg6[%dma_wait3A_559, %dma_wait3A_561, %dma_wait3A_562] : memref<3x32x1024xf32, #tpu.memory_space<vmem>> -> memref<1x32x1024xf32, #tpu.memory_space<vmem>>
    %dma_wait3A_564 = tpu.memref_squeeze %dma_wait3A_563 : memref<1x32x1024xf32, #tpu.memory_space<vmem>> -> memref<32x1024xf32, #tpu.memory_space<vmem>>
    %dma_wait3A_565 = arith.constant 0 : i32
    %dma_wait3A_566 = tpu.memref_slice %arg4[%mul3A_2, %dma_wait3A_565] : memref<32768x1024xf32, #tpu.memory_space<hbm>> -> memref<32x1024xf32, #tpu.memory_space<hbm>>
    %dma_wait3A_567 = tpu.memref_slice %arg8[%dma_wait3A_560] : memref<3x!tpu.dma_semaphore, #tpu.memory_space<semaphore_mem>> -> memref<1x!tpu.dma_semaphore, #tpu.memory_space<semaphore_mem>>
    %dma_wait3A_568 = tpu.memref_squeeze %dma_wait3A_567 : memref<1x!tpu.dma_semaphore, #tpu.memory_space<semaphore_mem>> -> memref<!tpu.dma_semaphore, #tpu.memory_space<semaphore_mem>>
    %dma_wait3A_569 = arith.constant 0 : i32
    %dma_wait3A_570 = tpu.memref_slice %arg4[%mul3A_2, %dma_wait3A_569] : memref<32768x1024xf32, #tpu.memory_space<hbm>> -> memref<32x1024xf32, #tpu.memory_space<hbm>>
    %dma_wait3A_571 = arith.constant 0 : i32
    %dma_wait3A_572 = arith.constant 0 : i32
    %dma_wait3A_573 = tpu.memref_slice %arg6[%dma_wait3A_559, %dma_wait3A_571, %dma_wait3A_572] : memref<3x32x1024xf32, #tpu.memory_space<vmem>> -> memref<1x32x1024xf32, #tpu.memory_space<vmem>>
    %dma_wait3A_574 = tpu.memref_squeeze %dma_wait3A_573 : memref<1x32x1024xf32, #tpu.memory_space<vmem>> -> memref<32x1024xf32, #tpu.memory_space<vmem>>
    tpu.wait_dma2 semaphore(%dma_wait3A_568 : memref<!tpu.dma_semaphore, #tpu.memory_space<semaphore_mem>>) src(%dma_wait3A_574 : memref<32x1024xf32, #tpu.memory_space<vmem>>) dst(%dma_wait3A_570 : memref<32x1024xf32, #tpu.memory_space<hbm>>)
    return
  }
}

</mosaic_0001>

<sc_bundles>
// kernel: kernel.3.cloned.1.call-start
scs
__scs_entry_jumppad:
0x0: {  	(pc) =	sbr.rel $0x88, $3  }
0x1: {  	(tag) =	ssettag $0x0;
	lr =	simm.s32 $0x1  }
0x2: {  	[smem:$0x3F9F] =	sst lr;
	_ =	strace $0xD0000000  }
0x3: {  	_ = 	snop  }
0x4: {  	_ = 	snop  }
0x5: {  	_ = 	snop  }
0x6: {  	_ = 	snop  }
0x7: {  	_ = 	snop  }
__scs_overlays_trampoline_lowered:
0x8: {  	[smem:$0x3FAE] =	sst s0  }
0x9: {  	[smem:$0x3FAF] =	sst s1  }
0xa: {  	[smem:$0x3FB0] =	sst s2  }
0xb: {  	[smem:$0x3FB1] =	sst s3  }
0xc: {  	[smem:$0x3FB2] =	sst s4  }
0xd: {  	[smem:$0x3FB3] =	sst s5  }
0xe: {  	[smem:$0x3FB4] =	sst s6  }
0xf: {  	[smem:$0x3FB5] =	sst s7  }
0x10: {  	[smem:$0x3FB6] =	sst s8  }
0x11: {  	[smem:$0x3FB7] =	sst s9;
	s0 =	simm.s32 @!p0 $0x0  }
0x12: {  	s1 =	sld [smem:$0x3F9D];
	s0 =	simm.s32 @p0 $0x1  }
0x13: {  	[smem:$0x3FB8] =	sst s0;
	s0 =	simm.s32 @!p1 $0x0  }
0x14: {  	s2 =	sld [smem:$0x3F9C];
	s0 =	simm.s32 @p1 $0x1  }
0x15: {  	[smem:$0x3FB9] =	sst s0;
	s0 =	simm.s32 @!p2 $0x0  }
0x16: {  	s3 =	sld [smem:$0x3FDB];
	s0 =	simm.s32 @p2 $0x1  }
0x17: {  	s4 =	simm.s32 $0x1BF5;
	[smem:$0x3FBB] =	sst s0  }
0x18: {  	s0 =	sld [smem:$0x3F9E];
	_ =	swait.ge [sflag:s4], $0x0  }
0x19: {  	s7 =	sld [smem:$0x3F9F]  }
0x1a: {  	s8 =	sadd.s32 $0xFFFFE003, lr  }
0x1b: {  	s9 =	sadd.s32 $0xFFFFFEF7, lr;
	s5 =	simm.s32 $0xFFFFFFFF;
	p2 =	slt.u32 s8, $0xFFFFF086  }
0x1c: {  	p1 =	slt.u32 s9, $0xF7A;
	s5 =	simm.s32 @!p2 $0x0  }
0x1d: {  	s5 =	simm.s32 @p1 $0x1;
	p0 =	seq.s32 s7, s2  }
0x1e: {  	s7 =	smul.u32 @!p0 $0xF7A, s2;
	p2 =	seq.s32 @!p0 s5, $0x0  }
0x1f: {  	s9 =	smul.u32 $0xF7A, s1;
	s8 =	simm.s32 @!p0 $0x1BF5;
	p2 =	por !p2, p0  }
0x20: {  	[sflag:s8] =	ssyncset.s32 @!p0 $0xFFFFF086;
	s6 =	sadd.s32 @!p0 s3, s7;
	s7 =	simm.s32 @!p0 $0x108  }
0x21: {  	s3 =	sadd.s32 s3, s9;
	s6 =	sadd.s32 @!p0 $0x88, s6;
	s7 =	simm.s32 @p2 $0x1082  }
0x22: {  	[simem:s7], [sflag:s8] =	dma.local @!p0 [hbm:s6], $0xF7A  }
0x23: {  	s9 =	sor.u32 $0xD0000000, s2;
	s6 =	simm.s32 $0x108;
	_ =	swait.ge @!p0 [sflag:s8], $0x0  }
0x24: {  	s3 =	sadd.s32 $0x88, s3;
	s6 =	simm.s32 @!p1 $0x1082;
	[sflag:s4] =	ssyncset.s32 $0xFFFFF086  }
0x25: {  	[simem:s6], [sflag:s4] =	dma.local [hbm:s3], $0xF7A  }
0x26: {  	[smem:$0x3F9F] =	sst s1;
	(tag) =	ssettag s2;
	_ =	strace s9  }
0x27: {  	s1 =	sld [smem:$0x3FAF]  }
0x28: {  	s2 =	sld [smem:$0x3FB0]  }
0x29: {  	s4 =	sld [smem:$0x3FB2]  }
0x2a: {  	p0 =	seq.s32 s5, $0x0;
	s5 =	sld [smem:$0x3FB3]  }
0x2b: {  	s6 =	sld [smem:$0x3FB4]  }
0x2c: {  	s7 =	sld [smem:$0x3FB5]  }
0x2d: {  	s3 =	simm.s32 $0x108;
	s8 =	sld [smem:$0x3FB6]  }
0x2e: {  	s3 =	simm.s32 @!p0 $0x1082;
	s9 =	sld [smem:$0x3FB7]  }
0x2f: {  	lr =	sadd.s32 s0, s3;
	s0 =	sld [smem:$0x3FAE]  }
0x30: {  	s3 =	sld [smem:$0x3FB1]  }
0x31: {  	[smem:$0x3FBA] =	sst s10  }
0x32: {  	s10 =	sld [smem:$0x3FB8];
	_ =	sdelay $0x3  }
0x33: {  	p0 =	seq.s32 s10, $0x1;
	s10 =	sld [smem:$0x3FBA];
	_ =	sdelay $0x3  }
0x34: {  	[smem:$0x3FBA] =	sst s10  }
0x35: {  	s10 =	sld [smem:$0x3FB9];
	_ =	sdelay $0x3  }
0x36: {  	p1 =	seq.s32 s10, $0x1;
	s10 =	sld [smem:$0x3FBA];
	_ =	sdelay $0x3  }
0x37: {  	[smem:$0x3FBA] =	sst s10  }
0x38: {  	s10 =	sld [smem:$0x3FBB]  }
0x39: {  	_ = 	snop;
	(pc) =	sbr.ind lr, $3  }
0x3a: {  	_ = 	snop  }
0x3b: {  	_ = 	snop  }
0x3c: {  	p2 =	seq.s32 s10, $0x1;
	s10 =	sld [smem:$0x3FBA]  }
0x3d: {  	_ =	shalt  }
0x3e: {  	_ =	shalt  }
0x3f: {  	_ =	shalt  }
0x40: {  	_ =	shalt  }
0x41: {  	_ =	shalt  }
0x42: {  	_ =	shalt  }
0x43: {  	_ =	shalt  }
0x44: {  	_ =	shalt  }
0x45: {  	_ =	shalt  }
0x46: {  	_ =	shalt  }
0x47: {  	_ =	shalt  }
0x48: {  	_ =	shalt  }
0x49: {  	_ =	shalt  }
0x4a: {  	_ =	shalt  }
0x4b: {  	_ =	shalt  }
0x4c: {  	_ =	shalt  }
0x4d: {  	_ =	shalt  }
0x4e: {  	_ =	shalt  }
0x4f: {  	_ =	shalt  }
0x50: {  	_ =	shalt  }
0x51: {  	_ =	shalt  }
0x52: {  	_ =	shalt  }
0x53: {  	_ =	shalt  }
0x54: {  	_ =	shalt  }
0x55: {  	_ =	shalt  }
0x56: {  	_ =	shalt  }
0x57: {  	_ =	shalt  }
0x58: {  	_ =	shalt  }
0x59: {  	_ =	shalt  }
0x5a: {  	_ =	shalt  }
0x5b: {  	_ =	shalt  }
0x5c: {  	_ =	shalt  }
0x5d: {  	_ =	shalt  }
0x5e: {  	_ =	shalt  }
0x5f: {  	_ =	shalt  }
0x60: {  	_ =	shalt  }
0x61: {  	_ =	shalt  }
0x62: {  	_ =	shalt  }
0x63: {  	_ =	shalt  }
0x64: {  	_ =	shalt  }
0x65: {  	_ =	shalt  }
0x66: {  	_ =	shalt  }
0x67: {  	_ =	shalt  }
0x68: {  	_ =	shalt  }
0x69: {  	_ =	shalt  }
0x6a: {  	_ =	shalt  }
0x6b: {  	_ =	shalt  }
0x6c: {  	_ =	shalt  }
0x6d: {  	_ =	shalt  }
0x6e: {  	_ =	shalt  }
0x6f: {  	_ =	shalt  }
0x70: {  	_ =	shalt  }
0x71: {  	_ =	shalt  }
0x72: {  	_ =	shalt  }
0x73: {  	_ =	shalt  }
0x74: {  	_ =	shalt  }
0x75: {  	_ =	shalt  }
0x76: {  	_ =	shalt  }
0x77: {  	_ =	shalt  }
0x78: {  	_ =	shalt  }
0x79: {  	_ =	shalt  }
0x7a: {  	_ =	shalt  }
0x7b: {  	_ =	shalt  }
0x7c: {  	_ =	shalt  }
0x7d: {  	_ =	shalt  }
0x7e: {  	_ =	shalt  }
0x7f: {  	_ =	shalt  }
0x80: {  	_ =	shalt  }
0x81: {  	_ =	shalt  }
0x82: {  	_ =	shalt  }
0x83: {  	_ =	shalt  }
0x84: {  	_ =	shalt  }
0x85: {  	_ =	shalt  }
0x86: {  	_ =	shalt  }
0x87: {  	_ =	shalt  }
.Lfunc_end0:
.L_simem_size_0:
called_computation_lowered:
.L_overlay_start_0:
0x88: {  	s2 =	sld [smem:$0x3FD9]  }
0x89: {  	s3 =	sld [smem:$0x3FFE];
	_ =	sdelay $0x1  }
0x8a: {  	s1 =	srdreg.scid  }
0x8b: {  	s0 =	sand.u32 $0x1, s1  }
0x8c: {  	s17 =	sshll.u32 s0, $0xA;
	s2 =	sadd.s32 s3, s2  }
0x8d: {  	s2 =	sadd.s32 s2, s17  }
0x8e: {  	[smem:$0x3FC6] =	sst s2  }
0x8f: {  	_ = 	snop  }
0x90: {  	s2 =	sld [smem:$0x3FC8]  }
0x91: {  	s18 =	sld [smem:$0x3FD0];
	(tm) =	ssettm $0x1  }
0x92: {  	s4 =	sld [smem:$0x3FFB];
	_ =	sdelay $0x3  }
0x93: {  	_ =	strace s4  }
0x94: {  	s4 =	sld [smem:$0x3FFC];
	_ =	sdelay $0x3  }
0x95: {  	_ =	strace s4  }
0x96: {  	s4 =	sld [smem:$0x3FFD];
	_ =	sdelay $0x3  }
0x97: {  	_ =	strace s4  }
0x98: {  	_ =	strace $0x8FFFFFFF  }
0x99: {  	s19 =	sld [smem:$0x3FDB];
	_ =	sdelay $0x1  }
0x9a: {  	s5 =	simm.s32 $_scs_section_size  }
0x9b: {  	s6 =	simm.s32 $_size__tile_overlayer_lowered;
	s7 =	simm.s32 $_tile_overlayer_lowered  }
0x9c: {  	s22 =	simm.s32 $0x1BFF;
	s21 =	sshll.u32 s7, $0x1;
	s4 =	sadd.s32 s5, s19  }
0x9d: {  	s8 =	simm.s32 $0x0;
	s20 =	sshll.u32 s6, $0x1;
	s6 =	sadd.s32 s21, s4  }
0x9e: {  	[timem:s8], [sflag:s22] =	dma.local [hbm:s6], s20  }
0x9f: {  	_ =	swait.ge [sflag:s22], s20  }
0xa0: {  	s5 =	ssub.s32 $0x0, s20;
	[sflag:s22] =	ssyncset.done $0x0  }
0xa1: {  	[sflag:s22] =	ssyncadd.s32 s5;
	_ =	sdelay $0x1  }
0xa2: {  	s23 =	simm.s32 $0x1B8B  }
0xa3: {  	_ =	swait.ge [sflag:s23], $0x1  }
0xa4: {  	[sflag:s23] =	ssyncset.done $0x0  }
0xa5: {  	s25 =	simm.s32 $0x1B8E;
	s24 =	sld [smem:$0x3FFE];
	[sflag:s23] =	ssyncadd.s32 $0xFFFFFFFF  }
0xa6: {  	s26 =	simm.s32 $execute0_lowered;
	[smem:$0x3FD2] =	sst s25  }
0xa7: {  	s6 =	sshll.u32 s26, $0x1;
	_ =	strace $0x80000046;
	[dreg:$0x1] =	wrdreg $0xFFFFFFFF  }
0xa8: {  	s28 =	simm.s32 $_size_execute0_lowered;
	s4 =	sadd.s32 s4, s6;
	[dreg:$0x0] =	wrdreg $0x0  }
0xa9: {  	s6 =	sshll.u32 s28, $0x1;
	[dreg:$0x2] =	wrdreg s4  }
0xaa: {  	[dreg:$0x3] =	wrdreg s6  }
0xab: {  	[dreg:$0x4] =	wrdreg $0xC0  }
0xac: {  	_ =	task [dreg:s8], $0x5FFFF  }
0xad: {  	[dreg:$0x1] =	wrdreg $0xFFFFFFFF  }
0xae: {  	[dreg:$0x0] =	wrdreg $0x60  }
0xaf: {  	[dreg:$0x2] =	wrdreg s24  }
0xb0: {  	[dreg:$0x3] =	wrdreg s2  }
0xb1: {  	[dreg:$0x4] =	wrdreg s18  }
0xb2: {  	[dreg:$0x5] =	wrdreg $0x9  }
0xb3: {  	_ =	task.clear_ibuf [dreg:s8], $0x6FFFF;
	_ =	strace $0x90000046  }
0xb4: {  	s29 =	simm.s32 $0x9;
	_ =	strace $0x80000048  }
0xb5: {  	_ =	swait.ge [sflag:s29], $0x1  }
0xb6: {  	[sflag:s29] =	ssyncadd.s32 $0xFFFFFFFF  }
0xb7: {  	_ =	strace $0x90000048  }
0xb8: {  	_ =	sfence  }
0xb9: {  	s30 =	sld [smem:$0x0];
	_ =	sdelay $0x2  }
0xba: {  	s31 =	sshll.u32 s1, $0xD;
	s1 =	sshrl.u32 s1, $0x2  }
0xbb: {  	s3 =	sand.u32 $0x4000, s31;
	s1 =	sadd.s32 s1, s30  }
0xbc: {  	s0 =	sor.u32 s3, s0;
	s1 =	sshll.u32 s1, $0x11  }
0xbd: {  	s0 =	sor.u32 s1, s0  }
0xbe: {  	s0 =	sadd.s32 $0x8F2B, s0  }
0xbf: {  	[sflag:s0] =	ssyncadd.remote.s32 $0x1  }
0xc0: {  	_ =	sfence.sel $0xFFFF  }
0xc1: {  	[dreg:$0x0] =	wrdreg $0xFFFFFFFF;
	(pc) =	sbr.abs _section_cstart, $3  }
0xc2: {  	[dreg:$0x1] =	wrdreg $0xFFFFFFFF  }
0xc3: {  	_ =	task.clear_ibuf [dreg:s8], $0x2FFFF;
	_ =	strace $0x9FFFFFFF  }
0xc4: {  	(tm) =	ssettm $0x7FFFFFFF  }
0xc5: {  	_ =	shalt  }
tec
execute0_lowered:
.L_overlay_start_1:
0x0: {  	(tag) =	ssettag $0x1  }
0x1: {  	s0 =	rddreg [dreg:$0x0]  }
0x2: {  	s2 =	rddreg [dreg:$0x1]  }
0x3: {  	s1 =	srdreg.scid;
	s4 =	rddreg [dreg:$0x2]  }
0x4: {  	s9 =	stileid.u32;
	s3 =	simm.s32 $0x0;
	s19 =	simm.s32 $0xC00  }
0x5: {  	s18 =	simm.s32 $0x1400;
	s15 =	simm.s32 $0x4400;
	s12 =	simm.s32 $0x4C00  }
0x6: {  	s13 =	simm.s32 $0x5C00;
	s31 =	simm.s32 $0x7400;
	s11 =	simm.s32 $0x10400  }
0x7: {  	s28 =	simm.s32 $0x4;
	s14 =	simm.s32 $0x7;
	s29 =	simm.s32 $0x5  }
0x8: {  	s16 =	simm.s32 $0x6;
	s30 =	simm.s32 $0x8;
	s17 =	simm.s32 $0x9  }
0x9: {  	s1 =	sand.u32 $0x1, s1;
	s5 =	sshll.u32 s9, $0xB;
	[smem:$0x7FF] =	sst s3  }
0xa: {  	s23 =	sshll.u32 s9, $0x12;
	s9 =	simm.s32 $0x2C00;
	s6 =	sshll.u32 s1, $0xA  }
0xb: {  	s20 =	ssub.s32 $0x2, s1;
	_ =	strace $0x80000047;
	s1 =	sshll.u32 s1, $0x11  }
0xc: {  	s6 =	sor.u32 s6, s5;
	s8 =	sshrl.u32 s20, $0x1;
	s5 =	sadd.s32 $0x100, s2  }
0xd: {  	s7 =	sshrl.u32 s6, $0x3;
	s8 =	ssub.s32 s20, s8;
	s21 =	sshll.u32 s6, $0x7  }
0xe: {  	s6 =	sadd.s32 $0x200, s2;
	s20 =	simm.s32 $0x2400;
	s10 =	sadd.s32 s4, s21  }
0xf: {  	s0 =	sadd.s32 s7, s0;
	s26 =	smax.u32 s8, $0x1;
	[dreg:$0x6] =	wrdreg s10  }
0x10: {  	s7 =	sadd.s32 $0x300, s2;
	s0 =	sadd.s32 $0x400, s0;
	[dreg:$0xb] =	wrdreg s26  }
0x11: {  	s21 =	simm.s32 $0x3400;
	s22 =	sadd.s32 $0x1D000, s10;
	[dreg:$0x5] =	wrdreg s0  }
0x12: {  	s8 =	simm.s32 $0x3;
	s24 =	sadd.s32 $0x1E000, s10;
	[dreg:$0x8] =	wrdreg s22  }
0x13: {  	s25 =	sadd.s32 $0x1F000, s10;
	s26 =	simm.s32 $0x6400;
	[dreg:$0x9] =	wrdreg s24  }
0x14: {  	s0 =	sadd.s32 $0x1000, s10;
	[dreg:$0xa] =	wrdreg s25;
	s10 =	simm.s32 $0x3C00  }
0x15: {  	s25 =	simm.s32 $0x5400;
	[dreg:$0x7] =	wrdreg s0;
	s0 =	sadd.s32 s23, s4  }
0x16: {  	v2 =	vlaneseq.u32;
	s24 =	simm.s32 $0x6C00;
	s22 =	simm.s32 $0x1;
	s0 =	sadd.s32 s1, s0  }
0x17: {  	vm0 =	vmmov $0xffff;
	v1 =	vshrl.u32 v2, $0x3;
	s4 =	simm.s32 $0x1C00;
	s1 =	simm.s32 $0x0;
	[dreg:$0x4] =	wrdreg s0  }
0x18: {  	v0 =	vand.u32 $0x7, v2;
	v2 =	vor.u32 $0x8, v2;
	v1 =	vmul.u32 $0x8, v1;
	s23 =	simm.s32 $0x2;
	s0 =	simm.s32 $0x7C00;
	[dreg:$0xc] =	wrdreg s1  }
.LBB2_1:
0x19: {  	s1 =	rddreg [dreg:$0x5]  }
0x1a: {  	[tilespmem:s3], [sflag:$0xA] =	stream.linear.gather [hbm4b:s1+s3], $0x400, $0x38;
	[tilespmem:$0x18400] =	vst v63  }
0x1b: {  	s1 =	simm.s32 $0xA  }
0x1c: {  	_ =	swait.ge [sflag:s1], $0x400  }
0x1d: {  	[sflag:s1] =	ssyncset.done $0x0  }
0x1e: {  	[sflag:s1] =	ssyncadd.s32 $0xFFFFFC00  }
0x1f: {  	v3 =	vld [tilespmem:$0x0];
	_ =	sdelay $0x4  }
0x20: {  	v4 =	vshll.u32 v3, $0x3  }
0x21: {  	v3 =	vand.u32 $0x7, v3;
	v4 =	vand.u32 $0xFFFFFFC0, v4  }
0x22: {  	v3 =	vor.u32 v3, v4  }
0x23: {  	v4 =	vperm.xlane v3, v0;
	_ =	sdelay $0x1  }
0x24: {  	v4 =	vadd.s32 v1, v4;
	_ =	sdelay $0x3  }
0x25: {  	s1 =	simm.s32 $0x400  }
0x26: {  	[tilespmem:s1], [sflag:$0x1] =	stream.indirect_vreg.gather [hbm4b:s2+s3], $0x80, v4, vm0, $0xb8;
	[tilespmem:$0x18400] =	vst v63  }
0x27: {  	v3 =	vperm.xlane v3, v2  }
0x28: {  	[tilespmem:s19], [sflag:$0x1] =	stream.indirect_vreg.gather [hbm4b:s5+s3], $0x80, v4, vm0, $0xb8;
	[tilespmem:$0x18400] =	vst v63  }
0x29: {  	v3 =	vadd.s32 v1, v3  }
0x2a: {  	[tilespmem:s18], [sflag:$0x1] =	stream.indirect_vreg.gather [hbm4b:s6+s3], $0x80, v4, vm0, $0xb8;
	[tilespmem:$0x18400] =	vst v63  }
0x2b: {  	_ = 	snop  }
0x2c: {  	[tilespmem:s4], [sflag:$0x1] =	stream.indirect_vreg.gather [hbm4b:s7+s3], $0x80, v4, vm0, $0xb8;
	[tilespmem:$0x18400] =	vst v63  }
0x2d: {  	_ = 	snop  }
0x2e: {  	[tilespmem:s20], [sflag:$0x1] =	stream.indirect_vreg.gather [hbm4b:s2+s3], $0x80, v3, vm0, $0xb8;
	[tilespmem:$0x18400] =	vst v63  }
0x2f: {  	_ = 	snop  }
0x30: {  	[tilespmem:s9], [sflag:$0x1] =	stream.indirect_vreg.gather [hbm4b:s5+s3], $0x80, v3, vm0, $0xb8;
	[tilespmem:$0x18400] =	vst v63  }
0x31: {  	_ = 	snop  }
0x32: {  	[tilespmem:s21], [sflag:$0x1] =	stream.indirect_vreg.gather [hbm4b:s6+s3], $0x80, v3, vm0, $0xb8;
	[tilespmem:$0x18400] =	vst v63  }
0x33: {  	_ = 	snop  }
0x34: {  	[tilespmem:s10], [sflag:$0x1] =	stream.indirect_vreg.gather [hbm4b:s7+s3], $0x80, v3, vm0, $0xb8;
	[tilespmem:$0x18400] =	vst v63  }
0x35: {  	v3 =	vld [tilespmem:$0x10];
	_ =	sdelay $0x4  }
0x36: {  	v57 =	vshll.u32 v3, $0x3  }
0x37: {  	v3 =	vand.u32 $0x7, v3;
	v4 =	vand.u32 $0xFFFFFFC0, v57  }
0x38: {  	v3 =	vor.u32 v3, v4  }
0x39: {  	v4 =	vperm.xlane v3, v0;
	_ =	sdelay $0x1  }
0x3a: {  	v4 =	vadd.s32 v1, v4;
	_ =	sdelay $0x4  }
0x3b: {  	[tilespmem:s15], [sflag:$0x2] =	stream.indirect_vreg.gather [hbm4b:s2+s3], $0x80, v4, vm0, $0xb8;
	[tilespmem:$0x18400] =	vst v63  }
0x3c: {  	v3 =	vperm.xlane v3, v2  }
0x3d: {  	[tilespmem:s12], [sflag:$0x2] =	stream.indirect_vreg.gather [hbm4b:s5+s3], $0x80, v4, vm0, $0xb8;
	[tilespmem:$0x18400] =	vst v63  }
0x3e: {  	v3 =	vadd.s32 v1, v3  }
0x3f: {  	[tilespmem:s25], [sflag:$0x2] =	stream.indirect_vreg.gather [hbm4b:s6+s3], $0x80, v4, vm0, $0xb8;
	[tilespmem:$0x18400] =	vst v63  }
0x40: {  	_ = 	snop  }
0x41: {  	[tilespmem:s13], [sflag:$0x2] =	stream.indirect_vreg.gather [hbm4b:s7+s3], $0x80, v4, vm0, $0xb8;
	[tilespmem:$0x18400] =	vst v63  }
0x42: {  	_ = 	snop  }
0x43: {  	[tilespmem:s26], [sflag:$0x2] =	stream.indirect_vreg.gather [hbm4b:s2+s3], $0x80, v3, vm0, $0xb8;
	[tilespmem:$0x18400] =	vst v63  }
0x44: {  	_ = 	snop  }
0x45: {  	[tilespmem:s24], [sflag:$0x2] =	stream.indirect_vreg.gather [hbm4b:s5+s3], $0x80, v3, vm0, $0xb8;
	[tilespmem:$0x18400] =	vst v63  }
0x46: {  	_ = 	snop  }
0x47: {  	[tilespmem:s31], [sflag:$0x2] =	stream.indirect_vreg.gather [hbm4b:s6+s3], $0x80, v3, vm0, $0xb8;
	[tilespmem:$0x18400] =	vst v63  }
0x48: {  	_ = 	snop  }
0x49: {  	[tilespmem:s0], [sflag:$0x2] =	stream.indirect_vreg.gather [hbm4b:s7+s3], $0x80, v3, vm0, $0xb8;
	[tilespmem:$0x18400] =	vst v63  }
0x4a: {  	v3 =	vld [tilespmem:$0x20];
	_ =	sdelay $0x4  }
0x4b: {  	v58 =	vshll.u32 v3, $0x3  }
0x4c: {  	v3 =	vand.u32 $0x7, v3;
	v4 =	vand.u32 $0xFFFFFFC0, v58  }
0x4d: {  	v3 =	vor.u32 v3, v4  }
0x4e: {  	v4 =	vperm.xlane v3, v0;
	_ =	sdelay $0x1  }
0x4f: {  	v4 =	vadd.s32 v1, v4;
	_ =	sdelay $0x3  }
0x50: {  	s1 =	simm.s32 $0x8400  }
0x51: {  	[tilespmem:s1], [sflag:$0x3] =	stream.indirect_vreg.gather [hbm4b:s2+s3], $0x80, v4, vm0, $0xb8;
	[tilespmem:$0x18400] =	vst v63  }
0x52: {  	s0 =	simm.s32 $0x8C00;
	v3 =	vperm.xlane v3, v2  }
0x53: {  	[tilespmem:s0], [sflag:$0x3] =	stream.indirect_vreg.gather [hbm4b:s5+s3], $0x80, v4, vm0, $0xb8;
	[tilespmem:$0x18400] =	vst v63  }
0x54: {  	v3 =	vadd.s32 v1, v3;
	s0 =	simm.s32 $0x9400  }
0x55: {  	[tilespmem:s0], [sflag:$0x3] =	stream.indirect_vreg.gather [hbm4b:s6+s3], $0x80, v4, vm0, $0xb8;
	[tilespmem:$0x18400] =	vst v63  }
0x56: {  	s0 =	simm.s32 $0x9C00  }
0x57: {  	[tilespmem:s0], [sflag:$0x3] =	stream.indirect_vreg.gather [hbm4b:s7+s3], $0x80, v4, vm0, $0xb8;
	[tilespmem:$0x18400] =	vst v63  }
0x58: {  	s0 =	simm.s32 $0xA400  }
0x59: {  	[tilespmem:s0], [sflag:$0x3] =	stream.indirect_vreg.gather [hbm4b:s2+s3], $0x80, v3, vm0, $0xb8;
	[tilespmem:$0x18400] =	vst v63  }
0x5a: {  	s0 =	simm.s32 $0xAC00  }
0x5b: {  	[tilespmem:s0], [sflag:$0x3] =	stream.indirect_vreg.gather [hbm4b:s5+s3], $0x80, v3, vm0, $0xb8;
	[tilespmem:$0x18400] =	vst v63  }
0x5c: {  	s0 =	simm.s32 $0xB400  }
0x5d: {  	[tilespmem:s0], [sflag:$0x3] =	stream.indirect_vreg.gather [hbm4b:s6+s3], $0x80, v3, vm0, $0xb8;
	[tilespmem:$0x18400] =	vst v63  }
0x5e: {  	s0 =	simm.s32 $0xBC00  }
0x5f: {  	[tilespmem:s0], [sflag:$0x3] =	stream.indirect_vreg.gather [hbm4b:s7+s3], $0x80, v3, vm0, $0xb8;
	[tilespmem:$0x18400] =	vst v63  }
0x60: {  	v3 =	vld [tilespmem:$0x30];
	_ =	sdelay $0x4  }
0x61: {  	v59 =	vshll.u32 v3, $0x3  }
0x62: {  	v3 =	vand.u32 $0x7, v3;
	v4 =	vand.u32 $0xFFFFFFC0, v59  }
0x63: {  	v3 =	vor.u32 v3, v4  }
0x64: {  	v4 =	vperm.xlane v3, v0;
	_ =	sdelay $0x1  }
0x65: {  	v4 =	vadd.s32 v1, v4;
	_ =	sdelay $0x3  }
0x66: {  	s0 =	simm.s32 $0xC400  }
0x67: {  	[tilespmem:s0], [sflag:$0x4] =	stream.indirect_vreg.gather [hbm4b:s2+s3], $0x80, v4, vm0, $0xb8;
	[tilespmem:$0x18400] =	vst v63  }
0x68: {  	v3 =	vperm.xlane v3, v2;
	s0 =	simm.s32 $0xCC00  }
0x69: {  	[tilespmem:s0], [sflag:$0x4] =	stream.indirect_vreg.gather [hbm4b:s5+s3], $0x80, v4, vm0, $0xb8;
	[tilespmem:$0x18400] =	vst v63  }
0x6a: {  	v3 =	vadd.s32 v1, v3;
	s0 =	simm.s32 $0xD400  }
0x6b: {  	[tilespmem:s0], [sflag:$0x4] =	stream.indirect_vreg.gather [hbm4b:s6+s3], $0x80, v4, vm0, $0xb8;
	[tilespmem:$0x18400] =	vst v63  }
0x6c: {  	s0 =	simm.s32 $0xDC00  }
0x6d: {  	[tilespmem:s0], [sflag:$0x4] =	stream.indirect_vreg.gather [hbm4b:s7+s3], $0x80, v4, vm0, $0xb8;
	[tilespmem:$0x18400] =	vst v63  }
0x6e: {  	s0 =	simm.s32 $0xE400  }
0x6f: {  	[tilespmem:s0], [sflag:$0x4] =	stream.indirect_vreg.gather [hbm4b:s2+s3], $0x80, v3, vm0, $0xb8;
	[tilespmem:$0x18400] =	vst v63  }
0x70: {  	s0 =	simm.s32 $0xEC00  }
0x71: {  	[tilespmem:s0], [sflag:$0x4] =	stream.indirect_vreg.gather [hbm4b:s5+s3], $0x80, v3, vm0, $0xb8;
	[tilespmem:$0x18400] =	vst v63  }
0x72: {  	s0 =	simm.s32 $0xF400  }
0x73: {  	[tilespmem:s0], [sflag:$0x4] =	stream.indirect_vreg.gather [hbm4b:s6+s3], $0x80, v3, vm0, $0xb8;
	[tilespmem:$0x18400] =	vst v63  }
0x74: {  	s0 =	simm.s32 $0xFC00  }
0x75: {  	[tilespmem:s0], [sflag:$0x4] =	stream.indirect_vreg.gather [hbm4b:s7+s3], $0x80, v3, vm0, $0xb8;
	[tilespmem:$0x18400] =	vst v63  }
0x76: {  	_ =	swait.ge [sflag:s22], $0x4000  }
0x77: {  	[sflag:s22] =	ssyncset.done $0x0  }
0x78: {  	[sflag:s22] =	ssyncadd.s32 $0xFFFFC000  }
0x79: {  	_ =	swait.ge [sflag:s23], $0x4000  }
0x7a: {  	[sflag:s23] =	ssyncset.done $0x0  }
0x7b: {  	s0 =	simm.s32 $0x400;
	s1 =	rddreg [dreg:$0x6];
	[sflag:s23] =	ssyncadd.s32 $0xFFFFC000  }
0x7c: {  	[hbm4b:s1+s3] =	stream.linear.scatter [tilespmem:s0], [sflag:$0x7], $0x8000, $0x38;
	[tilespmem:$0x18400] =	vst v63  }
0x7d: {  	v3 =	vld [tilespmem:$0x40];
	_ =	sdelay $0x4  }
0x7e: {  	v60 =	vshll.u32 v3, $0x3  }
0x7f: {  	v3 =	vand.u32 $0x7, v3;
	v4 =	vand.u32 $0xFFFFFFC0, v60  }
0x80: {  	v3 =	vor.u32 v3, v4  }
0x81: {  	v4 =	vperm.xlane v3, v0;
	_ =	sdelay $0x1  }
0x82: {  	v4 =	vadd.s32 v1, v4;
	_ =	sdelay $0x4  }
0x83: {  	[tilespmem:s11], [sflag:$0x5] =	stream.indirect_vreg.gather [hbm4b:s2+s3], $0x80, v4, vm0, $0xb8;
	[tilespmem:$0x18400] =	vst v63  }
0x84: {  	v3 =	vperm.xlane v3, v2;
	s11 =	simm.s32 $0x10C00  }
0x85: {  	[tilespmem:s11], [sflag:$0x5] =	stream.indirect_vreg.gather [hbm4b:s5+s3], $0x80, v4, vm0, $0xb8;
	[tilespmem:$0x18400] =	vst v63  }
0x86: {  	v3 =	vadd.s32 v1, v3;
	s11 =	simm.s32 $0x11400  }
0x87: {  	[tilespmem:s11], [sflag:$0x5] =	stream.indirect_vreg.gather [hbm4b:s6+s3], $0x80, v4, vm0, $0xb8;
	[tilespmem:$0x18400] =	vst v63  }
0x88: {  	s11 =	simm.s32 $0x11C00  }
0x89: {  	[tilespmem:s11], [sflag:$0x5] =	stream.indirect_vreg.gather [hbm4b:s7+s3], $0x80, v4, vm0, $0xb8;
	[tilespmem:$0x18400] =	vst v63  }
0x8a: {  	s11 =	simm.s32 $0x12400  }
0x8b: {  	[tilespmem:s11], [sflag:$0x5] =	stream.indirect_vreg.gather [hbm4b:s2+s3], $0x80, v3, vm0, $0xb8;
	[tilespmem:$0x18400] =	vst v63  }
0x8c: {  	s11 =	simm.s32 $0x12C00  }
0x8d: {  	[tilespmem:s11], [sflag:$0x5] =	stream.indirect_vreg.gather [hbm4b:s5+s3], $0x80, v3, vm0, $0xb8;
	[tilespmem:$0x18400] =	vst v63  }
0x8e: {  	s11 =	simm.s32 $0x13400  }
0x8f: {  	[tilespmem:s11], [sflag:$0x5] =	stream.indirect_vreg.gather [hbm4b:s6+s3], $0x80, v3, vm0, $0xb8;
	[tilespmem:$0x18400] =	vst v63  }
0x90: {  	s11 =	simm.s32 $0x13C00  }
0x91: {  	[tilespmem:s11], [sflag:$0x5] =	stream.indirect_vreg.gather [hbm4b:s7+s3], $0x80, v3, vm0, $0xb8;
	[tilespmem:$0x18400] =	vst v63  }
0x92: {  	v3 =	vld [tilespmem:$0x50];
	_ =	sdelay $0x4  }
0x93: {  	v61 =	vshll.u32 v3, $0x3  }
0x94: {  	v3 =	vand.u32 $0x7, v3;
	v4 =	vand.u32 $0xFFFFFFC0, v61  }
0x95: {  	v3 =	vor.u32 v3, v4  }
0x96: {  	v4 =	vperm.xlane v3, v0;
	_ =	sdelay $0x1  }
0x97: {  	v4 =	vadd.s32 v1, v4;
	_ =	sdelay $0x3  }
0x98: {  	s11 =	simm.s32 $0x14400  }
0x99: {  	[tilespmem:s11], [sflag:$0x6] =	stream.indirect_vreg.gather [hbm4b:s2+s3], $0x80, v4, vm0, $0xb8;
	[tilespmem:$0x18400] =	vst v63  }
0x9a: {  	v3 =	vperm.xlane v3, v2;
	s11 =	simm.s32 $0x14C00  }
0x9b: {  	[tilespmem:s11], [sflag:$0x6] =	stream.indirect_vreg.gather [hbm4b:s5+s3], $0x80, v4, vm0, $0xb8;
	[tilespmem:$0x18400] =	vst v63  }
0x9c: {  	v3 =	vadd.s32 v1, v3;
	s11 =	simm.s32 $0x15400  }
0x9d: {  	[tilespmem:s11], [sflag:$0x6] =	stream.indirect_vreg.gather [hbm4b:s6+s3], $0x80, v4, vm0, $0xb8;
	[tilespmem:$0x18400] =	vst v63  }
0x9e: {  	s11 =	simm.s32 $0x15C00  }
0x9f: {  	[tilespmem:s11], [sflag:$0x6] =	stream.indirect_vreg.gather [hbm4b:s7+s3], $0x80, v4, vm0, $0xb8;
	[tilespmem:$0x18400] =	vst v63  }
0xa0: {  	s11 =	simm.s32 $0x16400  }
0xa1: {  	[tilespmem:s11], [sflag:$0x6] =	stream.indirect_vreg.gather [hbm4b:s2+s3], $0x80, v3, vm0, $0xb8;
	[tilespmem:$0x18400] =	vst v63  }
0xa2: {  	s11 =	simm.s32 $0x16C00  }
0xa3: {  	[tilespmem:s11], [sflag:$0x6] =	stream.indirect_vreg.gather [hbm4b:s5+s3], $0x80, v3, vm0, $0xb8;
	[tilespmem:$0x18400] =	vst v63  }
0xa4: {  	s11 =	simm.s32 $0x17400  }
0xa5: {  	[tilespmem:s11], [sflag:$0x6] =	stream.indirect_vreg.gather [hbm4b:s6+s3], $0x80, v3, vm0, $0xb8;
	[tilespmem:$0x18400] =	vst v63  }
0xa6: {  	s11 =	simm.s32 $0x17C00  }
0xa7: {  	[tilespmem:s11], [sflag:$0x6] =	stream.indirect_vreg.gather [hbm4b:s7+s3], $0x80, v3, vm0, $0xb8;
	[tilespmem:$0x18400] =	vst v63  }
0xa8: {  	_ =	swait.ge [sflag:s8], $0x4000  }
0xa9: {  	[sflag:s8] =	ssyncset.done $0x0  }
0xaa: {  	[sflag:s8] =	ssyncadd.s32 $0xFFFFC000  }
0xab: {  	_ =	swait.ge [sflag:s28], $0x4000  }
0xac: {  	[sflag:s28] =	ssyncset.done $0x0  }
0xad: {  	s11 =	simm.s32 $0x8400;
	s1 =	rddreg [dreg:$0x7];
	[sflag:s28] =	ssyncadd.s32 $0xFFFFC000  }
0xae: {  	[hbm4b:s1+s3] =	stream.linear.scatter [tilespmem:s11], [sflag:$0x8], $0x8000, $0x38;
	[tilespmem:$0x18400] =	vst v63  }
0xaf: {  	_ =	swait.ge [sflag:s14], $0x8000  }
0xb0: {  	[sflag:s14] =	ssyncset.done $0x0  }
0xb1: {  	[sflag:s14] =	ssyncadd.s32 $0xFFFF8000  }
0xb2: {  	v3 =	vld [tilespmem:$0x60];
	_ =	sdelay $0x4  }
0xb3: {  	v62 =	vshll.u32 v3, $0x3  }
0xb4: {  	v3 =	vand.u32 $0x7, v3;
	v4 =	vand.u32 $0xFFFFFFC0, v62  }
0xb5: {  	v3 =	vor.u32 v3, v4  }
0xb6: {  	v4 =	vperm.xlane v3, v0;
	_ =	sdelay $0x1  }
0xb7: {  	v4 =	vadd.s32 v1, v4;
	_ =	sdelay $0x4  }
0xb8: {  	[tilespmem:s0], [sflag:$0x1] =	stream.indirect_vreg.gather [hbm4b:s2+s3], $0x80, v4, vm0, $0xb8;
	[tilespmem:$0x18400] =	vst v63  }
0xb9: {  	v3 =	vperm.xlane v3, v2  }
0xba: {  	[tilespmem:s19], [sflag:$0x1] =	stream.indirect_vreg.gather [hbm4b:s5+s3], $0x80, v4, vm0, $0xb8;
	[tilespmem:$0x18400] =	vst v63  }
0xbb: {  	v3 =	vadd.s32 v1, v3  }
0xbc: {  	[tilespmem:s18], [sflag:$0x1] =	stream.indirect_vreg.gather [hbm4b:s6+s3], $0x80, v4, vm0, $0xb8;
	[tilespmem:$0x18400] =	vst v63  }
0xbd: {  	_ = 	snop  }
0xbe: {  	[tilespmem:s4], [sflag:$0x1] =	stream.indirect_vreg.gather [hbm4b:s7+s3], $0x80, v4, vm0, $0xb8;
	[tilespmem:$0x18400] =	vst v63  }
0xbf: {  	_ = 	snop  }
0xc0: {  	[tilespmem:s20], [sflag:$0x1] =	stream.indirect_vreg.gather [hbm4b:s2+s3], $0x80, v3, vm0, $0xb8;
	[tilespmem:$0x18400] =	vst v63  }
0xc1: {  	_ = 	snop  }
0xc2: {  	[tilespmem:s9], [sflag:$0x1] =	stream.indirect_vreg.gather [hbm4b:s5+s3], $0x80, v3, vm0, $0xb8;
	[tilespmem:$0x18400] =	vst v63  }
0xc3: {  	_ = 	snop  }
0xc4: {  	[tilespmem:s21], [sflag:$0x1] =	stream.indirect_vreg.gather [hbm4b:s6+s3], $0x80, v3, vm0, $0xb8;
	[tilespmem:$0x18400] =	vst v63  }
0xc5: {  	_ = 	snop  }
0xc6: {  	[tilespmem:s10], [sflag:$0x1] =	stream.indirect_vreg.gather [hbm4b:s7+s3], $0x80, v3, vm0, $0xb8;
	[tilespmem:$0x18400] =	vst v63  }
0xc7: {  	v3 =	vld [tilespmem:$0x70];
	_ =	sdelay $0x4  }
0xc8: {  	v63 =	vshll.u32 v3, $0x3  }
0xc9: {  	v3 =	vand.u32 $0x7, v3;
	v4 =	vand.u32 $0xFFFFFFC0, v63  }
0xca: {  	v3 =	vor.u32 v3, v4  }
0xcb: {  	v4 =	vperm.xlane v3, v0;
	_ =	sdelay $0x1  }
0xcc: {  	v4 =	vadd.s32 v1, v4;
	_ =	sdelay $0x4  }
0xcd: {  	[tilespmem:s15], [sflag:$0x2] =	stream.indirect_vreg.gather [hbm4b:s2+s3], $0x80, v4, vm0, $0xb8;
	[tilespmem:$0x18400] =	vst v63  }
0xce: {  	v3 =	vperm.xlane v3, v2  }
0xcf: {  	[tilespmem:s12], [sflag:$0x2] =	stream.indirect_vreg.gather [hbm4b:s5+s3], $0x80, v4, vm0, $0xb8;
	[tilespmem:$0x18400] =	vst v63  }
0xd0: {  	v3 =	vadd.s32 v1, v3  }
0xd1: {  	[tilespmem:s25], [sflag:$0x2] =	stream.indirect_vreg.gather [hbm4b:s6+s3], $0x80, v4, vm0, $0xb8;
	[tilespmem:$0x18400] =	vst v63  }
0xd2: {  	_ = 	snop  }
0xd3: {  	[tilespmem:s13], [sflag:$0x2] =	stream.indirect_vreg.gather [hbm4b:s7+s3], $0x80, v4, vm0, $0xb8;
	[tilespmem:$0x18400] =	vst v63  }
0xd4: {  	_ = 	snop  }
0xd5: {  	[tilespmem:s26], [sflag:$0x2] =	stream.indirect_vreg.gather [hbm4b:s2+s3], $0x80, v3, vm0, $0xb8;
	[tilespmem:$0x18400] =	vst v63  }
0xd6: {  	s18 =	simm.s32 $0x0;
	s4 =	simm.s32 $0x1400;
	s9 =	simm.s32 $0x2400  }
0xd7: {  	[tilespmem:s24], [sflag:$0x2] =	stream.indirect_vreg.gather [hbm4b:s5+s3], $0x80, v3, vm0, $0xb8;
	[tilespmem:$0x18400] =	vst v63  }
0xd8: {  	s21 =	simm.s32 $0x2C00;
	s10 =	simm.s32 $0x3400;
	s15 =	simm.s32 $0x6400  }
0xd9: {  	[tilespmem:s31], [sflag:$0x2] =	stream.indirect_vreg.gather [hbm4b:s6+s3], $0x80, v3, vm0, $0xb8;
	[tilespmem:$0x18400] =	vst v63  }
0xda: {  	s12 =	simm.s32 $0x4400;
	s25 =	simm.s32 $0x4C00;
	s26 =	simm.s32 $0x7C00  }
0xdb: {  	[tilespmem:s26], [sflag:$0x2] =	stream.indirect_vreg.gather [hbm4b:s7+s3], $0x80, v3, vm0, $0xb8;
	[tilespmem:$0x18400] =	vst v63  }
0xdc: {  	s13 =	simm.s32 $0x5400;
	s31 =	simm.s32 $0xD0;
	s26 =	simm.s32 $0x5C00  }
.LBB2_2:
0xdd: {  	_ =	swait.ge [sflag:s29], $0x4000  }
0xde: {  	[sflag:s29] =	ssyncset.done $0x0  }
0xdf: {  	[sflag:s29] =	ssyncadd.s32 $0xFFFFC000  }
0xe0: {  	_ =	swait.ge [sflag:s16], $0x4000  }
0xe1: {  	s1 =	rddreg [dreg:$0x4]  }
0xe2: {  	[sflag:s16] =	ssyncset.done $0x0;
	s1 =	sadd.s32 s18, s1  }
0xe3: {  	s20 =	simm.s32 $0x10400;
	[sflag:s16] =	ssyncadd.s32 $0xFFFFC000;
	s19 =	sadd.s32 $0x2000, s1  }
0xe4: {  	[hbm4b:s19+s3] =	stream.linear.scatter [tilespmem:s20], [sflag:$0x9], $0x8000, $0x38;
	[tilespmem:$0x18400] =	vst v63  }
0xe5: {  	_ =	swait.ge [sflag:s30], $0x8000  }
0xe6: {  	[sflag:s30] =	ssyncset.done $0x0  }
0xe7: {  	[sflag:s30] =	ssyncadd.s32 $0xFFFF8000  }
0xe8: {  	v3 =	vld [tilespmem:s31+$0xFFFFFFB0];
	_ =	sdelay $0x4  }
0xe9: {  	v4 =	vshll.u32 v3, $0x3  }
0xea: {  	v3 =	vand.u32 $0x7, v3;
	v4 =	vand.u32 $0xFFFFFFC0, v4  }
0xeb: {  	v3 =	vor.u32 v3, v4  }
0xec: {  	v4 =	vperm.xlane v3, v0;
	_ =	sdelay $0x1  }
0xed: {  	v4 =	vadd.s32 v1, v4;
	_ =	sdelay $0x3  }
0xee: {  	s0 =	simm.s32 $0x8400  }
0xef: {  	[tilespmem:s0], [sflag:$0x3] =	stream.indirect_vreg.gather [hbm4b:s2+s3], $0x80, v4, vm0, $0xb8;
	[tilespmem:$0x18400] =	vst v63  }
0xf0: {  	s24 =	simm.s32 $0x8C00;
	v3 =	vperm.xlane v3, v2  }
0xf1: {  	[tilespmem:s24], [sflag:$0x3] =	stream.indirect_vreg.gather [hbm4b:s5+s3], $0x80, v4, vm0, $0xb8;
	[tilespmem:$0x18400] =	vst v63  }
0xf2: {  	s11 =	simm.s32 $0x9400;
	v3 =	vadd.s32 v1, v3  }
0xf3: {  	[tilespmem:s11], [sflag:$0x3] =	stream.indirect_vreg.gather [hbm4b:s6+s3], $0x80, v4, vm0, $0xb8;
	[tilespmem:$0x18400] =	vst v63  }
0xf4: {  	s24 =	simm.s32 $0x9C00  }
0xf5: {  	[tilespmem:s24], [sflag:$0x3] =	stream.indirect_vreg.gather [hbm4b:s7+s3], $0x80, v4, vm0, $0xb8;
	[tilespmem:$0x18400] =	vst v63  }
0xf6: {  	s11 =	simm.s32 $0xA400  }
0xf7: {  	[tilespmem:s11], [sflag:$0x3] =	stream.indirect_vreg.gather [hbm4b:s2+s3], $0x80, v3, vm0, $0xb8;
	[tilespmem:$0x18400] =	vst v63  }
0xf8: {  	s24 =	simm.s32 $0xAC00  }
0xf9: {  	[tilespmem:s24], [sflag:$0x3] =	stream.indirect_vreg.gather [hbm4b:s5+s3], $0x80, v3, vm0, $0xb8;
	[tilespmem:$0x18400] =	vst v63  }
0xfa: {  	s11 =	simm.s32 $0xB400  }
0xfb: {  	[tilespmem:s11], [sflag:$0x3] =	stream.indirect_vreg.gather [hbm4b:s6+s3], $0x80, v3, vm0, $0xb8;
	[tilespmem:$0x18400] =	vst v63  }
0xfc: {  	s24 =	simm.s32 $0xBC00  }
0xfd: {  	[tilespmem:s24], [sflag:$0x3] =	stream.indirect_vreg.gather [hbm4b:s7+s3], $0x80, v3, vm0, $0xb8;
	[tilespmem:$0x18400] =	vst v63  }
0xfe: {  	v3 =	vld [tilespmem:s31+$0xFFFFFFC0];
	_ =	sdelay $0x4  }
0xff: {  	v59 =	vshll.u32 v3, $0x3  }
0x100: {  	v3 =	vand.u32 $0x7, v3;
	v4 =	vand.u32 $0xFFFFFFC0, v59  }
0x101: {  	v3 =	vor.u32 v3, v4  }
0x102: {  	v4 =	vperm.xlane v3, v0;
	_ =	sdelay $0x1  }
0x103: {  	v4 =	vadd.s32 v1, v4;
	_ =	sdelay $0x3  }
0x104: {  	s11 =	simm.s32 $0xC400  }
0x105: {  	[tilespmem:s11], [sflag:$0x4] =	stream.indirect_vreg.gather [hbm4b:s2+s3], $0x80, v4, vm0, $0xb8;
	[tilespmem:$0x18400] =	vst v63  }
0x106: {  	s24 =	simm.s32 $0xCC00;
	v3 =	vperm.xlane v3, v2  }
0x107: {  	[tilespmem:s24], [sflag:$0x4] =	stream.indirect_vreg.gather [hbm4b:s5+s3], $0x80, v4, vm0, $0xb8;
	[tilespmem:$0x18400] =	vst v63  }
0x108: {  	v3 =	vadd.s32 v1, v3;
	s11 =	simm.s32 $0xD400  }
0x109: {  	[tilespmem:s11], [sflag:$0x4] =	stream.indirect_vreg.gather [hbm4b:s6+s3], $0x80, v4, vm0, $0xb8;
	[tilespmem:$0x18400] =	vst v63  }
0x10a: {  	s24 =	simm.s32 $0xDC00  }
0x10b: {  	[tilespmem:s24], [sflag:$0x4] =	stream.indirect_vreg.gather [hbm4b:s7+s3], $0x80, v4, vm0, $0xb8;
	[tilespmem:$0x18400] =	vst v63  }
0x10c: {  	s11 =	simm.s32 $0xE400  }
0x10d: {  	[tilespmem:s11], [sflag:$0x4] =	stream.indirect_vreg.gather [hbm4b:s2+s3], $0x80, v3, vm0, $0xb8;
	[tilespmem:$0x18400] =	vst v63  }
0x10e: {  	s24 =	simm.s32 $0xEC00  }
0x10f: {  	[tilespmem:s24], [sflag:$0x4] =	stream.indirect_vreg.gather [hbm4b:s5+s3], $0x80, v3, vm0, $0xb8;
	[tilespmem:$0x18400] =	vst v63  }
0x110: {  	s11 =	simm.s32 $0xF400  }
0x111: {  	[tilespmem:s11], [sflag:$0x4] =	stream.indirect_vreg.gather [hbm4b:s6+s3], $0x80, v3, vm0, $0xb8;
	[tilespmem:$0x18400] =	vst v63  }
0x112: {  	s24 =	simm.s32 $0xFC00  }
0x113: {  	[tilespmem:s24], [sflag:$0x4] =	stream.indirect_vreg.gather [hbm4b:s7+s3], $0x80, v3, vm0, $0xb8;
	[tilespmem:$0x18400] =	vst v63  }
0x114: {  	_ =	swait.ge [sflag:s22], $0x4000  }
0x115: {  	[sflag:s22] =	ssyncset.done $0x0  }
0x116: {  	[sflag:s22] =	ssyncadd.s32 $0xFFFFC000  }
0x117: {  	_ =	swait.ge [sflag:s23], $0x4000  }
0x118: {  	[sflag:s23] =	ssyncset.done $0x0  }
0x119: {  	s11 =	sadd.s32 $0x3000, s1;
	s24 =	simm.s32 $0x400;
	[sflag:s23] =	ssyncadd.s32 $0xFFFFC000  }
0x11a: {  	[hbm4b:s11+s3] =	stream.linear.scatter [tilespmem:s24], [sflag:$0x7], $0x8000, $0x38;
	[tilespmem:$0x18400] =	vst v63  }
0x11b: {  	_ =	swait.ge [sflag:s17], $0x8000  }
0x11c: {  	[sflag:s17] =	ssyncset.done $0x0  }
0x11d: {  	[sflag:s17] =	ssyncadd.s32 $0xFFFF8000  }
0x11e: {  	v3 =	vld [tilespmem:s31+$0xFFFFFFD0];
	_ =	sdelay $0x4  }
0x11f: {  	v60 =	vshll.u32 v3, $0x3  }
0x120: {  	v3 =	vand.u32 $0x7, v3;
	v4 =	vand.u32 $0xFFFFFFC0, v60  }
0x121: {  	v3 =	vor.u32 v3, v4  }
0x122: {  	v4 =	vperm.xlane v3, v0;
	_ =	sdelay $0x1  }
0x123: {  	v4 =	vadd.s32 v1, v4;
	_ =	sdelay $0x4  }
0x124: {  	[tilespmem:s20], [sflag:$0x5] =	stream.indirect_vreg.gather [hbm4b:s2+s3], $0x80, v4, vm0, $0xb8;
	[tilespmem:$0x18400] =	vst v63  }
0x125: {  	v3 =	vperm.xlane v3, v2;
	s20 =	simm.s32 $0x10C00  }
0x126: {  	[tilespmem:s20], [sflag:$0x5] =	stream.indirect_vreg.gather [hbm4b:s5+s3], $0x80, v4, vm0, $0xb8;
	[tilespmem:$0x18400] =	vst v63  }
0x127: {  	v3 =	vadd.s32 v1, v3;
	s20 =	simm.s32 $0x11400  }
0x128: {  	[tilespmem:s20], [sflag:$0x5] =	stream.indirect_vreg.gather [hbm4b:s6+s3], $0x80, v4, vm0, $0xb8;
	[tilespmem:$0x18400] =	vst v63  }
0x129: {  	s20 =	simm.s32 $0x11C00  }
0x12a: {  	[tilespmem:s20], [sflag:$0x5] =	stream.indirect_vreg.gather [hbm4b:s7+s3], $0x80, v4, vm0, $0xb8;
	[tilespmem:$0x18400] =	vst v63  }
0x12b: {  	s20 =	simm.s32 $0x12400  }
0x12c: {  	[tilespmem:s20], [sflag:$0x5] =	stream.indirect_vreg.gather [hbm4b:s2+s3], $0x80, v3, vm0, $0xb8;
	[tilespmem:$0x18400] =	vst v63  }
0x12d: {  	s20 =	simm.s32 $0x12C00  }
0x12e: {  	[tilespmem:s20], [sflag:$0x5] =	stream.indirect_vreg.gather [hbm4b:s5+s3], $0x80, v3, vm0, $0xb8;
	[tilespmem:$0x18400] =	vst v63  }
0x12f: {  	s20 =	simm.s32 $0x13400  }
0x130: {  	[tilespmem:s20], [sflag:$0x5] =	stream.indirect_vreg.gather [hbm4b:s6+s3], $0x80, v3, vm0, $0xb8;
	[tilespmem:$0x18400] =	vst v63  }
0x131: {  	s20 =	simm.s32 $0x13C00  }
0x132: {  	[tilespmem:s20], [sflag:$0x5] =	stream.indirect_vreg.gather [hbm4b:s7+s3], $0x80, v3, vm0, $0xb8;
	[tilespmem:$0x18400] =	vst v63  }
0x133: {  	v3 =	vld [tilespmem:s31+$0xFFFFFFE0];
	_ =	sdelay $0x4  }
0x134: {  	v61 =	vshll.u32 v3, $0x3  }
0x135: {  	v3 =	vand.u32 $0x7, v3;
	v4 =	vand.u32 $0xFFFFFFC0, v61  }
0x136: {  	v3 =	vor.u32 v3, v4  }
0x137: {  	v4 =	vperm.xlane v3, v0;
	_ =	sdelay $0x1  }
0x138: {  	v4 =	vadd.s32 v1, v4;
	_ =	sdelay $0x3  }
0x139: {  	s20 =	simm.s32 $0x14400  }
0x13a: {  	[tilespmem:s20], [sflag:$0x6] =	stream.indirect_vreg.gather [hbm4b:s2+s3], $0x80, v4, vm0, $0xb8;
	[tilespmem:$0x18400] =	vst v63  }
0x13b: {  	v3 =	vperm.xlane v3, v2;
	s20 =	simm.s32 $0x14C00  }
0x13c: {  	[tilespmem:s20], [sflag:$0x6] =	stream.indirect_vreg.gather [hbm4b:s5+s3], $0x80, v4, vm0, $0xb8;
	[tilespmem:$0x18400] =	vst v63  }
0x13d: {  	v3 =	vadd.s32 v1, v3;
	s20 =	simm.s32 $0x15400  }
0x13e: {  	[tilespmem:s20], [sflag:$0x6] =	stream.indirect_vreg.gather [hbm4b:s6+s3], $0x80, v4, vm0, $0xb8;
	[tilespmem:$0x18400] =	vst v63  }
0x13f: {  	s20 =	simm.s32 $0x15C00  }
0x140: {  	[tilespmem:s20], [sflag:$0x6] =	stream.indirect_vreg.gather [hbm4b:s7+s3], $0x80, v4, vm0, $0xb8;
	[tilespmem:$0x18400] =	vst v63  }
0x141: {  	s20 =	simm.s32 $0x16400  }
0x142: {  	[tilespmem:s20], [sflag:$0x6] =	stream.indirect_vreg.gather [hbm4b:s2+s3], $0x80, v3, vm0, $0xb8;
	[tilespmem:$0x18400] =	vst v63  }
0x143: {  	s20 =	simm.s32 $0x16C00  }
0x144: {  	[tilespmem:s20], [sflag:$0x6] =	stream.indirect_vreg.gather [hbm4b:s5+s3], $0x80, v3, vm0, $0xb8;
	[tilespmem:$0x18400] =	vst v63  }
0x145: {  	s20 =	simm.s32 $0x17400  }
0x146: {  	[tilespmem:s20], [sflag:$0x6] =	stream.indirect_vreg.gather [hbm4b:s6+s3], $0x80, v3, vm0, $0xb8;
	[tilespmem:$0x18400] =	vst v63  }
0x147: {  	s20 =	simm.s32 $0x17C00  }
0x148: {  	[tilespmem:s20], [sflag:$0x6] =	stream.indirect_vreg.gather [hbm4b:s7+s3], $0x80, v3, vm0, $0xb8;
	[tilespmem:$0x18400] =	vst v63  }
0x149: {  	_ =	swait.ge [sflag:s8], $0x4000  }
0x14a: {  	[sflag:s8] =	ssyncset.done $0x0  }
0x14b: {  	[sflag:s8] =	ssyncadd.s32 $0xFFFFC000  }
0x14c: {  	_ =	swait.ge [sflag:s28], $0x4000  }
0x14d: {  	[sflag:s28] =	ssyncset.done $0x0  }
0x14e: {  	s1 =	sadd.s32 $0x4000, s1;
	[sflag:s28] =	ssyncadd.s32 $0xFFFFC000  }
0x14f: {  	[hbm4b:s1+s3] =	stream.linear.scatter [tilespmem:s0], [sflag:$0x8], $0x8000, $0x38;
	[tilespmem:$0x18400] =	vst v63  }
0x150: {  	_ =	swait.ge [sflag:s14], $0x8000  }
0x151: {  	[sflag:s14] =	ssyncset.done $0x0  }
0x152: {  	[sflag:s14] =	ssyncadd.s32 $0xFFFF8000  }
0x153: {  	v3 =	vld [tilespmem:s31+$0xFFFFFFF0];
	_ =	sdelay $0x4  }
0x154: {  	v62 =	vshll.u32 v3, $0x3  }
0x155: {  	v3 =	vand.u32 $0x7, v3;
	v4 =	vand.u32 $0xFFFFFFC0, v62  }
0x156: {  	v3 =	vor.u32 v3, v4  }
0x157: {  	v4 =	vperm.xlane v3, v0;
	_ =	sdelay $0x1  }
0x158: {  	v4 =	vadd.s32 v1, v4;
	_ =	sdelay $0x4  }
0x159: {  	[tilespmem:s24], [sflag:$0x1] =	stream.indirect_vreg.gather [hbm4b:s2+s3], $0x80, v4, vm0, $0xb8;
	[tilespmem:$0x18400] =	vst v63  }
0x15a: {  	s19 =	simm.s32 $0xC00;
	v3 =	vperm.xlane v3, v2  }
0x15b: {  	[tilespmem:s19], [sflag:$0x1] =	stream.indirect_vreg.gather [hbm4b:s5+s3], $0x80, v4, vm0, $0xb8;
	[tilespmem:$0x18400] =	vst v63  }
0x15c: {  	v3 =	vadd.s32 v1, v3  }
0x15d: {  	[tilespmem:s4], [sflag:$0x1] =	stream.indirect_vreg.gather [hbm4b:s6+s3], $0x80, v4, vm0, $0xb8;
	[tilespmem:$0x18400] =	vst v63  }
0x15e: {  	s20 =	simm.s32 $0x1C00  }
0x15f: {  	[tilespmem:s20], [sflag:$0x1] =	stream.indirect_vreg.gather [hbm4b:s7+s3], $0x80, v4, vm0, $0xb8;
	[tilespmem:$0x18400] =	vst v63  }
0x160: {  	_ = 	snop  }
0x161: {  	[tilespmem:s9], [sflag:$0x1] =	stream.indirect_vreg.gather [hbm4b:s2+s3], $0x80, v3, vm0, $0xb8;
	[tilespmem:$0x18400] =	vst v63  }
0x162: {  	_ = 	snop  }
0x163: {  	[tilespmem:s21], [sflag:$0x1] =	stream.indirect_vreg.gather [hbm4b:s5+s3], $0x80, v3, vm0, $0xb8;
	[tilespmem:$0x18400] =	vst v63  }
0x164: {  	_ = 	snop  }
0x165: {  	[tilespmem:s10], [sflag:$0x1] =	stream.indirect_vreg.gather [hbm4b:s6+s3], $0x80, v3, vm0, $0xb8;
	[tilespmem:$0x18400] =	vst v63  }
0x166: {  	s20 =	simm.s32 $0x3C00  }
0x167: {  	[tilespmem:s20], [sflag:$0x1] =	stream.indirect_vreg.gather [hbm4b:s7+s3], $0x80, v3, vm0, $0xb8;
	[tilespmem:$0x18400] =	vst v63  }
0x168: {  	v3 =	vld [tilespmem:s31+$0x0];
	_ =	sdelay $0x4  }
0x169: {  	v63 =	vshll.u32 v3, $0x3  }
0x16a: {  	v3 =	vand.u32 $0x7, v3;
	v4 =	vand.u32 $0xFFFFFFC0, v63  }
0x16b: {  	v3 =	vor.u32 v3, v4  }
0x16c: {  	v4 =	vperm.xlane v3, v0;
	_ =	sdelay $0x1  }
0x16d: {  	v4 =	vadd.s32 v1, v4;
	_ =	sdelay $0x4  }
0x16e: {  	[tilespmem:s12], [sflag:$0x2] =	stream.indirect_vreg.gather [hbm4b:s2+s3], $0x80, v4, vm0, $0xb8;
	[tilespmem:$0x18400] =	vst v63  }
0x16f: {  	v3 =	vperm.xlane v3, v2  }
0x170: {  	[tilespmem:s25], [sflag:$0x2] =	stream.indirect_vreg.gather [hbm4b:s5+s3], $0x80, v4, vm0, $0xb8;
	[tilespmem:$0x18400] =	vst v63  }
0x171: {  	v3 =	vadd.s32 v1, v3  }
0x172: {  	[tilespmem:s13], [sflag:$0x2] =	stream.indirect_vreg.gather [hbm4b:s6+s3], $0x80, v4, vm0, $0xb8;
	[tilespmem:$0x18400] =	vst v63  }
0x173: {  	_ = 	snop  }
0x174: {  	[tilespmem:s26], [sflag:$0x2] =	stream.indirect_vreg.gather [hbm4b:s7+s3], $0x80, v4, vm0, $0xb8;
	[tilespmem:$0x18400] =	vst v63  }
0x175: {  	_ = 	snop  }
0x176: {  	[tilespmem:s15], [sflag:$0x2] =	stream.indirect_vreg.gather [hbm4b:s2+s3], $0x80, v3, vm0, $0xb8;
	[tilespmem:$0x18400] =	vst v63  }
0x177: {  	p0 =	sne.s32 s18, $0x18000;
	s24 =	simm.s32 $0x6C00  }
0x178: {  	[tilespmem:s24], [sflag:$0x2] =	stream.indirect_vreg.gather [hbm4b:s5+s3], $0x80, v3, vm0, $0xb8;
	[tilespmem:$0x18400] =	vst v63  }
.Ltmp0:
0x179: {  	_ = 	snop;
	(pc) =	sbr.rel @p0 .LBB2_2-.Ltmp0, $4  }
0x17a: {  	s18 =	sadd.s32 $0x3000, s18;
	s11 =	simm.s32 $0x10400;
	s20 =	simm.s32 $0x7400  }
0x17b: {  	[tilespmem:s20], [sflag:$0x2] =	stream.indirect_vreg.gather [hbm4b:s6+s3], $0x80, v3, vm0, $0xb8;
	[tilespmem:$0x18400] =	vst v63  }
0x17c: {  	s0 =	simm.s32 $0x400;
	s31 =	sadd.s32 $0x60, s31;
	s20 =	simm.s32 $0x7C00  }
0x17d: {  	[tilespmem:s20], [sflag:$0x2] =	stream.indirect_vreg.gather [hbm4b:s7+s3], $0x80, v3, vm0, $0xb8;
	[tilespmem:$0x18400] =	vst v63  }
0x17e: {  	_ =	swait.ge [sflag:s29], $0x4000  }
0x17f: {  	[sflag:s29] =	ssyncset.done $0x0  }
0x180: {  	[sflag:s29] =	ssyncadd.s32 $0xFFFFC000  }
0x181: {  	_ =	swait.ge [sflag:s16], $0x4000  }
0x182: {  	[sflag:s16] =	ssyncset.done $0x0  }
0x183: {  	s1 =	rddreg [dreg:$0x8];
	[sflag:s16] =	ssyncadd.s32 $0xFFFFC000  }
0x184: {  	[hbm4b:s1+s3] =	stream.linear.scatter [tilespmem:s11], [sflag:$0x9], $0x8000, $0x38;
	[tilespmem:$0x18400] =	vst v63  }
0x185: {  	_ =	swait.ge [sflag:s30], $0x8000  }
0x186: {  	[sflag:s30] =	ssyncset.done $0x0  }
0x187: {  	[sflag:s30] =	ssyncadd.s32 $0xFFFF8000  }
0x188: {  	v3 =	vld [tilespmem:$0x3E0];
	_ =	sdelay $0x4  }
0x189: {  	v4 =	vshll.u32 v3, $0x3  }
0x18a: {  	v3 =	vand.u32 $0x7, v3;
	v4 =	vand.u32 $0xFFFFFFC0, v4  }
0x18b: {  	v3 =	vor.u32 v3, v4  }
0x18c: {  	v4 =	vperm.xlane v3, v0;
	_ =	sdelay $0x1  }
0x18d: {  	v4 =	vadd.s32 v1, v4;
	_ =	sdelay $0x3  }
0x18e: {  	s4 =	simm.s32 $0x8400  }
0x18f: {  	[tilespmem:s4], [sflag:$0x3] =	stream.indirect_vreg.gather [hbm4b:s2+s3], $0x80, v4, vm0, $0xb8;
	[tilespmem:$0x18400] =	vst v63  }
0x190: {  	s10 =	simm.s32 $0x8C00;
	v3 =	vperm.xlane v3, v2  }
0x191: {  	[tilespmem:s10], [sflag:$0x3] =	stream.indirect_vreg.gather [hbm4b:s5+s3], $0x80, v4, vm0, $0xb8;
	[tilespmem:$0x18400] =	vst v63  }
0x192: {  	s12 =	simm.s32 $0x9400;
	v3 =	vadd.s32 v1, v3  }
0x193: {  	[tilespmem:s12], [sflag:$0x3] =	stream.indirect_vreg.gather [hbm4b:s6+s3], $0x80, v4, vm0, $0xb8;
	[tilespmem:$0x18400] =	vst v63  }
0x194: {  	s13 =	simm.s32 $0x9C00  }
0x195: {  	[tilespmem:s13], [sflag:$0x3] =	stream.indirect_vreg.gather [hbm4b:s7+s3], $0x80, v4, vm0, $0xb8;
	[tilespmem:$0x18400] =	vst v63  }
0x196: {  	s15 =	simm.s32 $0xA400  }
0x197: {  	[tilespmem:s15], [sflag:$0x3] =	stream.indirect_vreg.gather [hbm4b:s2+s3], $0x80, v3, vm0, $0xb8;
	[tilespmem:$0x18400] =	vst v63  }
0x198: {  	s18 =	simm.s32 $0xAC00  }
0x199: {  	[tilespmem:s18], [sflag:$0x3] =	stream.indirect_vreg.gather [hbm4b:s5+s3], $0x80, v3, vm0, $0xb8;
	[tilespmem:$0x18400] =	vst v63  }
0x19a: {  	s20 =	simm.s32 $0xB400  }
0x19b: {  	[tilespmem:s20], [sflag:$0x3] =	stream.indirect_vreg.gather [hbm4b:s6+s3], $0x80, v3, vm0, $0xb8;
	[tilespmem:$0x18400] =	vst v63  }
0x19c: {  	s21 =	simm.s32 $0xBC00  }
0x19d: {  	[tilespmem:s21], [sflag:$0x3] =	stream.indirect_vreg.gather [hbm4b:s7+s3], $0x80, v3, vm0, $0xb8;
	[tilespmem:$0x18400] =	vst v63  }
0x19e: {  	v3 =	vld [tilespmem:$0x3F0];
	_ =	sdelay $0x4  }
0x19f: {  	v63 =	vshll.u32 v3, $0x3  }
0x1a0: {  	v3 =	vand.u32 $0x7, v3;
	v4 =	vand.u32 $0xFFFFFFC0, v63  }
0x1a1: {  	v3 =	vor.u32 v3, v4  }
0x1a2: {  	v4 =	vperm.xlane v3, v0;
	_ =	sdelay $0x1  }
0x1a3: {  	v4 =	vadd.s32 v1, v4;
	_ =	sdelay $0x3  }
0x1a4: {  	s25 =	simm.s32 $0xC400  }
0x1a5: {  	[tilespmem:s25], [sflag:$0x4] =	stream.indirect_vreg.gather [hbm4b:s2+s3], $0x80, v4, vm0, $0xb8;
	[tilespmem:$0x18400] =	vst v63  }
0x1a6: {  	s26 =	simm.s32 $0xCC00;
	v3 =	vperm.xlane v3, v2  }
0x1a7: {  	[tilespmem:s26], [sflag:$0x4] =	stream.indirect_vreg.gather [hbm4b:s5+s3], $0x80, v4, vm0, $0xb8;
	[tilespmem:$0x18400] =	vst v63  }
0x1a8: {  	s9 =	simm.s32 $0xD400;
	v3 =	vadd.s32 v1, v3  }
0x1a9: {  	[tilespmem:s9], [sflag:$0x4] =	stream.indirect_vreg.gather [hbm4b:s6+s3], $0x80, v4, vm0, $0xb8;
	[tilespmem:$0x18400] =	vst v63  }
0x1aa: {  	s10 =	simm.s32 $0xDC00  }
0x1ab: {  	[tilespmem:s10], [sflag:$0x4] =	stream.indirect_vreg.gather [hbm4b:s7+s3], $0x80, v4, vm0, $0xb8;
	[tilespmem:$0x18400] =	vst v63  }
0x1ac: {  	s12 =	simm.s32 $0xE400  }
0x1ad: {  	[tilespmem:s12], [sflag:$0x4] =	stream.indirect_vreg.gather [hbm4b:s2+s3], $0x80, v3, vm0, $0xb8;
	[tilespmem:$0x18400] =	vst v63  }
0x1ae: {  	s13 =	simm.s32 $0xEC00  }
0x1af: {  	[tilespmem:s13], [sflag:$0x4] =	stream.indirect_vreg.gather [hbm4b:s5+s3], $0x80, v3, vm0, $0xb8;
	[tilespmem:$0x18400] =	vst v63  }
0x1b0: {  	s15 =	simm.s32 $0xF400  }
0x1b1: {  	[tilespmem:s15], [sflag:$0x4] =	stream.indirect_vreg.gather [hbm4b:s6+s3], $0x80, v3, vm0, $0xb8;
	[tilespmem:$0x18400] =	vst v63  }
0x1b2: {  	s18 =	simm.s32 $0xFC00  }
0x1b3: {  	[tilespmem:s18], [sflag:$0x4] =	stream.indirect_vreg.gather [hbm4b:s7+s3], $0x80, v3, vm0, $0xb8;
	[tilespmem:$0x18400] =	vst v63  }
0x1b4: {  	_ =	swait.ge [sflag:s22], $0x4000  }
0x1b5: {  	[sflag:s22] =	ssyncset.done $0x0  }
0x1b6: {  	[sflag:s22] =	ssyncadd.s32 $0xFFFFC000  }
0x1b7: {  	_ =	swait.ge [sflag:s23], $0x4000  }
0x1b8: {  	[sflag:s23] =	ssyncset.done $0x0  }
0x1b9: {  	s20 =	rddreg [dreg:$0x9];
	[sflag:s23] =	ssyncadd.s32 $0xFFFFC000  }
0x1ba: {  	[hbm4b:s20+s3] =	stream.linear.scatter [tilespmem:s0], [sflag:$0x7], $0x8000, $0x38;
	[tilespmem:$0x18400] =	vst v63  }
0x1bb: {  	_ =	swait.ge [sflag:s17], $0x8000  }
0x1bc: {  	[sflag:s17] =	ssyncset.done $0x0  }
0x1bd: {  	[sflag:s17] =	ssyncadd.s32 $0xFFFF8000  }
0x1be: {  	_ =	swait.ge [sflag:s8], $0x4000  }
0x1bf: {  	[sflag:s8] =	ssyncset.done $0x0  }
0x1c0: {  	[sflag:s8] =	ssyncadd.s32 $0xFFFFC000  }
0x1c1: {  	_ =	swait.ge [sflag:s28], $0x4000  }
0x1c2: {  	[sflag:s28] =	ssyncset.done $0x0  }
0x1c3: {  	s21 =	rddreg [dreg:$0xa];
	[sflag:s28] =	ssyncadd.s32 $0xFFFFC000  }
0x1c4: {  	[hbm4b:s21+s3] =	stream.linear.scatter [tilespmem:s4], [sflag:$0x8], $0x8000, $0x38;
	[tilespmem:$0x18400] =	vst v63  }
0x1c5: {  	_ =	swait.ge [sflag:s14], $0x8000  }
0x1c6: {  	[sflag:s14] =	ssyncset.done $0x0  }
0x1c7: {  	[sflag:s14] =	ssyncadd.s32 $0xFFFF8000  }
0x1c8: {  	_ =	swait.ge [sflag:s30], $0x8000  }
0x1c9: {  	s25 =	rddreg [dreg:$0xc]  }
0x1ca: {  	s26 =	rddreg [dreg:$0xb];
	s0 =	sadd.s32 $0x1, s25  }
0x1cb: {  	s31 =	simm.s32 $0x7400;
	s9 =	simm.s32 $0x2C00;
	p0 =	sne.s32 s0, s26  }
.Ltmp1:
0x1cc: {  	s10 =	simm.s32 $0x3C00;
	s12 =	simm.s32 $0x4C00;
	(pc) =	sbr.rel @p0 .LBB2_1-.Ltmp1, $4  }
0x1cd: {  	s13 =	simm.s32 $0x5C00;
	s15 =	simm.s32 $0x4400;
	s18 =	simm.s32 $0x1400  }
0x1ce: {  	s20 =	simm.s32 $0x2400;
	s4 =	simm.s32 $0x1C00;
	[sflag:s30] =	ssyncset.done $0x0  }
0x1cf: {  	s21 =	simm.s32 $0x3400;
	[sflag:s30] =	ssyncadd.s32 $0xFFFF8000;
	s25 =	simm.s32 $0x5400  }
0x1d0: {  	[dreg:$0xc] =	wrdreg s0;
	s26 =	simm.s32 $0x6400;
	s0 =	simm.s32 $0x7C00  }
0x1d1: {  	_ =	sfence.sel $0x180000  }
0x1d2: {  	[bflag:$0x0] =	sbarrier.arrive $0xFFFF  }
0x1d3: {  	_ =	strace $0x90000047  }
0x1d4: {  	s0 =	stileid.u32;
	[bflag:$0x2] =	sbarrier.arrive $0xFFFF  }
0x1d5: {  	p0 =	sne.s32 s0, $0x0;
	s0 =	rddreg [dreg:$0x3]  }
0x1d6: {  	s0 =	sadd.s32 @!p0 $0x100000, s0  }
0x1d7: {  	[sflag:s0] =	ssyncadd.tile.s32 @!p0 $0x1;
	_ =	shalt  }
.Lfunc_end2:
_tile_overlayer_lowered:
.L_overlay_start_2:
0x1d8: {  	(tag) =	ssettag $0x2  }
0x1d9: {  	s0 =	rddreg [dreg:$0x0];
	s2 =	stileid.u32  }
0x1da: {  	s1 =	rddreg [dreg:$0x1];
	p0 =	sne.s32 s2, $0x0  }
0x1db: {  	s3 =	rddreg [dreg:$0x2];
	[bflag:$0x3] =	sbarrier.arrive $0xFFFF;
	s2 =	simm.s32 @!p0 $0x1C0A  }
0x1dc: {  	[timem:s3], [sflag:s2] =	dma.local @!p0 [hbm:s0], s1  }
0x1dd: {  	s0 =	simm.s32 @!p0 $0xA  }
0x1de: {  	_ =	swait.ge @!p0 [sflag:s0], s1  }
0x1df: {  	s1 =	ssub.s32 @!p0 $0x0, s1;
	[sflag:s0] =	ssyncset.done @!p0 $0x0  }
0x1e0: {  	[sflag:s0] =	ssyncadd.s32 @!p0 s1  }
0x1e1: {  	[bflag:$0x3] =	sbarrier.arrive $0xFFFF  }
0x1e2: {  	_ =	shalt  }

</sc_bundles>
